<compile_context>
chip_gen: v7x
topology: tpu7x:2x2x1
jax: 0.10.2.dev20260603
libtpu: 0.0.44.dev20260713+nightly
codegen_flags: <defaults>
</compile_context>

<pallas_src>
import functools
import jax
import jax.numpy as jnp
from jax import lax
from jax.experimental import pallas as pl
from jax.experimental.pallas import tpu as pltpu
from jax.experimental.pallas import tpu_sc as plsc

N_NODES = 10000
N_EDGES = 320000
N_GRAPHS = 64
DIM = 128
DIM_OUT = 10
NP = 10240

NC, NS = 2, 16
NW = NC * NS
EPW = N_EDGES // NW
K = 80
NCHUNK = EPW // K
STRIPE = NP // NS

RB = 1024
NRB = NP // RB


def _make_mesh():
    return plsc.VectorSubcoreMesh(
        core_axis_name="c", subcore_axis_name="s", num_cores=NC,
        num_subcores=NS,
    )


def _deg_kernel_body(dst_hbm, out_hbm, dst_v, hist_v):
    c = lax.axis_index("c")
    s = lax.axis_index("s")
    wid = c * NS + s
    pltpu.sync_copy(dst_hbm.at[wid], dst_v)
    zero16 = jnp.zeros((16,), jnp.float32)

    @pl.loop(0, NP // 16)
    def _zero(r):
        hist_v[pl.ds(r * 16, 16)] = zero16

    one16 = jnp.ones((16,), jnp.float32)

    @pl.loop(0, NCHUNK)
    def _hist(r):
        for cc in range(K // 16):
            idx = dst_v[r, pl.ds(cc * 16, 16)]
            plsc.addupdate_scatter(hist_v, [idx], one16)

    pltpu.sync_copy(hist_v, out_hbm.at[wid, 0])


def _scatter_kernel_body(y_hbm, src_hbm, dst_hbm, out_hbm, src_v, dst_v,
                         rows_v, acc_sh, sem_a):
    c = lax.axis_index("c")
    s = lax.axis_index("s")
    wid = c * NS + s
    pltpu.sync_copy(src_hbm.at[wid], src_v)
    pltpu.sync_copy(dst_hbm.at[wid], dst_v)
    pltpu.sync_copy(
        y_hbm.at[pl.ds(s * STRIPE, STRIPE)],
        acc_sh.at[pl.ds(s * STRIPE, STRIPE)],
    )
    plsc.subcore_barrier()

    def body(j, carry):
        pltpu.async_copy(y_hbm.at[src_v.at[j]], rows_v, sem_a).wait()
        pltpu.sync_copy(rows_v, acc_sh.at[dst_v.at[j]], add=True)
        return carry

    lax.fori_loop(0, NCHUNK, body, 0)
    plsc.subcore_barrier()
    pltpu.sync_copy(
        acc_sh.at[pl.ds(s * STRIPE, STRIPE)],
        out_hbm.at[c, pl.ds(s * STRIPE, STRIPE)],
    )


def _dis_from(deg_ref):
    d2 = deg_ref[:, 0, 0, :]
    ones_nw = jnp.ones((NW, 1), jnp.float32)
    cnt = lax.dot_general(d2, ones_nw, (((0,), (0,)), ((), ())),
                          preferred_element_type=jnp.float32) + 1.0
    return lax.rsqrt(cnt)


def _ka_body(deg_ref, x_ref, w_ref, y_ref):
    dis = _dis_from(deg_ref)
    xw = jnp.dot(x_ref[...], w_ref[...], preferred_element_type=jnp.float32)
    y_ref[...] = xw * dis


_ka_call = pl.pallas_call(
    _ka_body,
    grid=(NRB,),
    in_specs=[
        pl.BlockSpec((NW, 1, 1, RB), lambda i: (0, i, 0, 0)),
        pl.BlockSpec((RB, DIM), lambda i: (i, 0)),
        pl.BlockSpec((DIM, DIM), lambda i: (0, 0)),
    ],
    out_specs=pl.BlockSpec((RB, DIM), lambda i: (i, 0)),
    out_shape=jax.ShapeDtypeStruct((NP, DIM), jnp.float32),
)


def _kb_body(deg_ref, y1_ref, acc_ref, w2_ref, b1_ref, h1_ref, y2_ref):
    dis = _dis_from(deg_ref)
    h1 = dis * (acc_ref[0] + acc_ref[1] - y1_ref[...]) + b1_ref[...]
    h1_ref[...] = h1
    y2_ref[...] = (
        jnp.dot(h1, w2_ref[...], preferred_element_type=jnp.float32) * dis
    )


_kb_call = pl.pallas_call(
    _kb_body,
    grid=(NRB,),
    in_specs=[
        pl.BlockSpec((NW, 1, 1, RB), lambda i: (0, i, 0, 0)),
        pl.BlockSpec((RB, DIM), lambda i: (i, 0)),
        pl.BlockSpec((NC, RB, DIM), lambda i: (0, i, 0)),
        pl.BlockSpec((DIM, DIM), lambda i: (0, 0)),
        pl.BlockSpec((1, DIM), lambda i: (0, 0)),
    ],
    out_specs=[
        pl.BlockSpec((RB, DIM), lambda i: (i, 0)),
        pl.BlockSpec((RB, DIM), lambda i: (i, 0)),
    ],
    out_shape=[
        jax.ShapeDtypeStruct((NP, DIM), jnp.float32),
        jax.ShapeDtypeStruct((NP, DIM), jnp.float32),
    ],
)


def _kc_body(deg_ref, y2_ref, acc_ref, b2_ref, h1_ref, batch_ref,
             wl1_ref, bl1_ref, wl2_ref, bl2_ref, out1_ref, out2_ref, p_scr):
    i = pl.program_id(0)
    dis = _dis_from(deg_ref)
    h2 = dis * (acc_ref[0] + acc_ref[1] - y2_ref[...]) + b2_ref[...]
    gid = lax.broadcasted_iota(jnp.int32, (N_GRAPHS, RB), 0)
    m = (gid == batch_ref[0]).astype(jnp.float32)
    pp1 = jnp.dot(m, h1_ref[...], preferred_element_type=jnp.float32)
    pp2 = jnp.dot(m, h2, preferred_element_type=jnp.float32)

    @pl.when(i == 0)
    def _():
        p_scr[:, :DIM] = pp1
        p_scr[:, DIM:] = pp2

    @pl.when(i > 0)
    def _():
        p_scr[:, :DIM] += pp1
        p_scr[:, DIM:] += pp2

    @pl.when(i == NRB - 1)
    def _():
        p = p_scr[...]
        t = jnp.dot(p, wl1_ref[...], preferred_element_type=jnp.float32)
        t = jnp.maximum(t + bl1_ref[...], 0.0)
        logits = (
            jnp.dot(t, wl2_ref[...], preferred_element_type=jnp.float32)
            + bl2_ref[...]
        )
        out1_ref[...] = logits
        col = lax.broadcasted_iota(jnp.int32, (N_GRAPHS, DIM), 1)
        neg = jnp.where(col < DIM_OUT, logits, jnp.float32(-1e30))
        mx = jnp.max(neg, axis=1, keepdims=True)
        lse = jnp.log(jnp.sum(jnp.exp(neg - mx), axis=1, keepdims=True)) + mx
        out2_ref[...] = logits - lse


_kc_call = pl.pallas_call(
    _kc_body,
    grid=(NRB,),
    in_specs=[
        pl.BlockSpec((NW, 1, 1, RB), lambda i: (0, i, 0, 0)),
        pl.BlockSpec((RB, DIM), lambda i: (i, 0)),
        pl.BlockSpec((NC, RB, DIM), lambda i: (0, i, 0)),
        pl.BlockSpec((1, DIM), lambda i: (0, 0)),
        pl.BlockSpec((RB, DIM), lambda i: (i, 0)),
        pl.BlockSpec((1, 1, RB), lambda i: (i, 0, 0)),
        pl.BlockSpec((2 * DIM, 2 * DIM), lambda i: (0, 0)),
        pl.BlockSpec((1, 2 * DIM), lambda i: (0, 0)),
        pl.BlockSpec((2 * DIM, DIM), lambda i: (0, 0)),
        pl.BlockSpec((1, DIM), lambda i: (0, 0)),
    ],
    out_specs=[
        pl.BlockSpec((N_GRAPHS, DIM), lambda i: (0, 0)),
        pl.BlockSpec((N_GRAPHS, DIM), lambda i: (0, 0)),
    ],
    out_shape=[
        jax.ShapeDtypeStruct((N_GRAPHS, DIM), jnp.float32),
        jax.ShapeDtypeStruct((N_GRAPHS, DIM), jnp.float32),
    ],
    scratch_shapes=[pltpu.VMEM((N_GRAPHS, 2 * DIM), jnp.float32)],
)


def kernel(x, edge_index, batch, W1, b1, W2, b2, Wl1, bl1, Wl2, bl2):
    src = edge_index[0].astype(jnp.int32).reshape(NW, NCHUNK, K)
    dst = edge_index[1].astype(jnp.int32).reshape(NW, NCHUNK, K)
    xp = jnp.zeros((NP, DIM), jnp.float32).at[:N_NODES].set(x)
    batch2d = (jnp.full((NP,), N_GRAPHS, jnp.int32)
               .at[:N_NODES].set(batch.astype(jnp.int32)).reshape(NRB, 1, RB))
    wl2p = jnp.zeros((2 * DIM, DIM), jnp.float32).at[:, :DIM_OUT].set(Wl2)
    bl2p = jnp.zeros((1, DIM), jnp.float32).at[0, :DIM_OUT].set(bl2)
    b1r = b1.reshape(1, DIM)
    b2r = b2.reshape(1, DIM)
    bl1r = bl1.reshape(1, 2 * DIM)

    deg_kernel = pl.kernel(
        _deg_kernel_body,
        out_type=jax.ShapeDtypeStruct((NW, 1, NP), jnp.float32),
        mesh=_make_mesh(),
        scratch_types=[
            pltpu.VMEM((NCHUNK, K), jnp.int32),
            pltpu.VMEM((NP,), jnp.float32),
        ],
        compiler_params=pltpu.CompilerParams(needs_layout_passes=False),
    )
    scatter_kernel = pl.kernel(
        _scatter_kernel_body,
        out_type=jax.ShapeDtypeStruct((NC, NP, DIM), jnp.float32),
        mesh=_make_mesh(),
        scratch_types=[
            pltpu.VMEM((NCHUNK, K), jnp.int32),
            pltpu.VMEM((NCHUNK, K), jnp.int32),
            pltpu.VMEM((K, DIM), jnp.float32),
            pltpu.VMEM_SHARED((NP, DIM), jnp.float32),
            pltpu.SemaphoreType.DMA,
        ],
    )

    deg16 = deg_kernel(dst).reshape(NW, NRB, 1, RB)
    y1 = _ka_call(deg16, xp, W1)
    acc1 = scatter_kernel(y1, src, dst)
    h1, y2 = _kb_call(deg16, y1, acc1, W2, b1r)
    acc2 = scatter_kernel(y2, src, dst)
    logits, logp = _kc_call(deg16, y2, acc2, b2r, h1, batch2d,
                            Wl1, bl1r, wl2p, bl2p)
    return (logits[:, :DIM_OUT], logp[:, :DIM_OUT])

# --- scband reference (transcript-rebuilt; emitter-appended) ---
"""Pipeline reference for scband-gcn-16157666968391 (READ-ONLY COPY).

The authoritative reference and input builder live on the scoring server;
editing this copy changes nothing except your own understanding.
"""

import jax, jax.numpy as jnp
import numpy as np

N_NODES = 10000
N_EDGES = 320000
N_GRAPHS = 64
DIM_IN = 128
DIM_H = 128
DIM_OUT = 10


def gcn_conv(x, edge_index, W, b, num_nodes):
    # PyG GCNConv: add self-loops, symmetric normalization, x @ W, scatter-add
    src = edge_index[0]
    dst = edge_index[1]
    loop = jnp.arange(num_nodes, dtype=src.dtype)
    src = jnp.concatenate([src, loop])
    dst = jnp.concatenate([dst, loop])
    deg = jnp.zeros((num_nodes,), dtype=x.dtype).at[dst].add(1.0)
    deg_inv_sqrt = jnp.where(deg > 0, jax.lax.rsqrt(jnp.maximum(deg, 1e-12)), 0.0)
    norm = deg_inv_sqrt[src] * deg_inv_sqrt[dst]
    xw = x @ W
    msg = xw[src] * norm[:, None]
    out = jnp.zeros((num_nodes, W.shape[1]), dtype=x.dtype).at[dst].add(msg)
    return out + b


def global_add_pool(h, batch, num_graphs):
    return jax.ops.segment_sum(h, batch, num_segments=num_graphs)


def setup_inputs(seed: int = 0) -> dict:
    key = jax.random.key(seed)
    ks = jax.random.split(key, 12)
    x = jax.random.normal(ks[0], (N_NODES, DIM_IN), dtype=jnp.float32)
    edge_index = jax.random.randint(ks[1], (2, N_EDGES), 0, N_NODES, dtype=jnp.int64)
    batch = jnp.sort(jax.random.randint(ks[2], (N_NODES,), 0, N_GRAPHS, dtype=jnp.int64))
    s1 = 1.0 / np.sqrt(DIM_IN)
    s2 = 1.0 / np.sqrt(DIM_H)
    s3 = 1.0 / np.sqrt(DIM_H * 2)
    W1 = jax.random.uniform(ks[3], (DIM_IN, DIM_H), jnp.float32, -s1, s1)
    b1 = jnp.zeros((DIM_H,), jnp.float32)
    W2 = jax.random.uniform(ks[4], (DIM_H, DIM_H), jnp.float32, -s2, s2)
    b2 = jnp.zeros((DIM_H,), jnp.float32)
    Wl1 = jax.random.uniform(ks[5], (DIM_H * 2, DIM_H * 2), jnp.float32, -s3, s3)
    bl1 = jax.random.uniform(ks[6], (DIM_H * 2,), jnp.float32, -s3, s3)
    Wl2 = jax.random.uniform(ks[7], (DIM_H * 2, DIM_OUT), jnp.float32, -s3, s3)
    bl2 = jax.random.uniform(ks[8], (DIM_OUT,), jnp.float32, -s3, s3)
    return {"x": x, "edge_index": edge_index, "batch": batch,
            "W1": W1, "b1": b1, "W2": W2, "b2": b2,
            "Wl1": Wl1, "bl1": bl1, "Wl2": Wl2, "bl2": bl2}


def reference(x, edge_index, batch, W1, b1, W2, b2, Wl1, bl1, Wl2, bl2):
    # eval mode: dropout layers are identity
    h1 = gcn_conv(x, edge_index, W1, b1, N_NODES)
    h2 = gcn_conv(h1, edge_index, W2, b2, N_NODES)
    p1 = global_add_pool(h1, batch, N_GRAPHS)
    p2 = global_add_pool(h2, batch, N_GRAPHS)
    h = jnp.concatenate((p1, p2), axis=1)
    h = h @ Wl1 + bl1
    h = jax.nn.relu(h)
    h = h @ Wl2 + bl2
    return (h, jax.nn.log_softmax(h, axis=1))

if __name__ == "__main__":
    import jax
    _d = setup_inputs()
    print(jax.jit(kernel)(*tuple(_d.values())))

</pallas_src>

<mosaic_0001>
#map = affine_map<(d0, d1) -> (0, 0, 0)>
module attributes {stable_mosaic.version = 14 : i64} {
  func.func @_deg_kernel_body(%arg0: i32, %arg1: i32, %arg2: memref<32x125x80xi32, #tpu.memory_space<hbm>>, %arg3: memref<32x1x10240xf32, #tpu.memory_space<hbm>>, %arg4: memref<125x80xi32, #tpu.memory_space<vmem>>, %arg5: memref<10240xf32, #tpu.memory_space<vmem>>) attributes {dimension_semantics = [#tpu.dimension_semantics<core_parallel>, #tpu.dimension_semantics<subcore_parallel>], iteration_bounds = array<i64: 2, 16>, scalar_prefetch = 0 : i64, scratch_operands = 2 : i64, tpu.core_type = #tpu.core_type<sc_vector_subcore>, window_params = [{transform_indices = #map}, {transform_indices = #map}]} {
    %mul3A = arith.constant 16 : i32
    %mul3A_0 = arith.muli %arg0, %mul3A : i32
    %add3A = arith.addi %mul3A_0, %arg1 : i32
    "tpu.region"() ({
      %run_scoped3A_13 = tpu.sem_alloc : memref<!tpu.dma_semaphore, #tpu.memory_space<semaphore_mem>>
      %dma_start3A = arith.constant 0 : i32
      %dma_start3A_14 = arith.constant 0 : i32
      %dma_start3A_15 = tpu.memref_slice %arg2[%add3A, %dma_start3A, %dma_start3A_14] : memref<32x125x80xi32, #tpu.memory_space<hbm>> -> memref<1x125x80xi32, #tpu.memory_space<hbm>>
      %dma_start3A_16 = tpu.memref_squeeze %dma_start3A_15 : memref<1x125x80xi32, #tpu.memory_space<hbm>> -> memref<125x80xi32, #tpu.memory_space<hbm>>
      %dma_start3A_17 = arith.constant 0 : i32
      %dma_start3A_18 = arith.constant 0 : i32
      %dma_start3A_19 = tpu.memref_slice %arg2[%add3A, %dma_start3A_17, %dma_start3A_18] : memref<32x125x80xi32, #tpu.memory_space<hbm>> -> memref<1x125x80xi32, #tpu.memory_space<hbm>>
      %dma_start3A_20 = tpu.memref_squeeze %dma_start3A_19 : memref<1x125x80xi32, #tpu.memory_space<hbm>> -> memref<125x80xi32, #tpu.memory_space<hbm>>
      tpu.enqueue_dma source(%dma_start3A_20 : memref<125x80xi32, #tpu.memory_space<hbm>>) target(%arg4 : memref<125x80xi32, #tpu.memory_space<vmem>>) target_semaphore(%run_scoped3A_13 : memref<!tpu.dma_semaphore, #tpu.memory_space<semaphore_mem>>)
      %dma_wait3A = arith.constant 0 : i32
      %dma_wait3A_21 = arith.constant 0 : i32
      %dma_wait3A_22 = tpu.memref_slice %arg2[%add3A, %dma_wait3A, %dma_wait3A_21] : memref<32x125x80xi32, #tpu.memory_space<hbm>> -> memref<1x125x80xi32, #tpu.memory_space<hbm>>
      %dma_wait3A_23 = tpu.memref_squeeze %dma_wait3A_22 : memref<1x125x80xi32, #tpu.memory_space<hbm>> -> memref<125x80xi32, #tpu.memory_space<hbm>>
      %dma_wait3A_24 = arith.constant 0 : i32
      %dma_wait3A_25 = arith.constant 0 : i32
      %dma_wait3A_26 = tpu.memref_slice %arg2[%add3A, %dma_wait3A_24, %dma_wait3A_25] : memref<32x125x80xi32, #tpu.memory_space<hbm>> -> memref<1x125x80xi32, #tpu.memory_space<hbm>>
      %dma_wait3A_27 = tpu.memref_squeeze %dma_wait3A_26 : memref<1x125x80xi32, #tpu.memory_space<hbm>> -> memref<125x80xi32, #tpu.memory_space<hbm>>
      tpu.wait_dma2 semaphore(%run_scoped3A_13 : memref<!tpu.dma_semaphore, #tpu.memory_space<semaphore_mem>>) src(%dma_wait3A_27 : memref<125x80xi32, #tpu.memory_space<hbm>>) dst(%arg4 : memref<125x80xi32, #tpu.memory_space<vmem>>)
      tpu.yield
    }) : () -> ()
    %broadcast_in_dim3A = arith.constant 0.000000e+00 : f32
    %broadcast_in_dim3A_1 = vector.broadcast %broadcast_in_dim3A : f32 to vector<16xf32>
    %scan3A = arith.constant 0 : i32
    %scan3A_2 = arith.constant 640 : i32
    %scan3A_3 = arith.addi %scan3A, %scan3A_2 : i32
    %scan3A_4 = arith.constant 1 : i32
    scf.for %scan3A_13 = %scan3A to %scan3A_3 step %scan3A_4  : i32 {
      %mul3A_14 = arith.constant 1 : i32
      %mul3A_15 = arith.muli %scan3A_13, %mul3A_14 : i32
      %add3A_16 = arith.constant 0 : i32
      %add3A_17 = arith.addi %add3A_16, %mul3A_15 : i32
      %mul3A_18 = arith.constant 16 : i32
      %mul3A_19 = arith.muli %add3A_17, %mul3A_18 : i32
      %swap3A = arith.index_cast %mul3A_19 : i32 to index
      %swap3A_20 = tpu.vector_load %arg5[%swap3A] {strides = array<i32>} : memref<10240xf32, #tpu.memory_space<vmem>>, vector<16xf32>,
      tpu.vector_store %arg5[%swap3A], %broadcast_in_dim3A_1 {strides = array<i32>} : memref<10240xf32, #tpu.memory_space<vmem>>, vector<16xf32>,
    }
    %scan3A_5 = arith.constant 640 : i32
    %broadcast_in_dim3A_6 = arith.constant 1.000000e+00 : f32
    %broadcast_in_dim3A_7 = vector.broadcast %broadcast_in_dim3A_6 : f32 to vector<16xf32>
    %scan3A_8 = arith.constant 0 : i32
    %scan3A_9 = arith.constant 125 : i32
    %scan3A_10 = arith.addi %scan3A_8, %scan3A_9 : i32
    %scan3A_11 = arith.constant 1 : i32
    scf.for %scan3A_13 = %scan3A_8 to %scan3A_10 step %scan3A_11  : i32 {
      %mul3A_14 = arith.constant 1 : i32
      %mul3A_15 = arith.muli %scan3A_13, %mul3A_14 : i32
      %add3A_16 = arith.constant 0 : i32
      %add3A_17 = arith.addi %add3A_16, %mul3A_15 : i32
      %get3A = arith.index_cast %add3A_17 : i32 to index
      %get3A_18 = arith.constant 0 : index
      %get3A_19 = tpu.vector_load %arg4[%get3A, %get3A_18] {strides = array<i32>} : memref<125x80xi32, #tpu.memory_space<vmem>>, vector<16xi32>,
      tpu.vector_store_idx %arg5[%get3A_19], %broadcast_in_dim3A_7 {add = true} : memref<10240xf32, #tpu.memory_space<vmem>>[vector<16xi32>], vector<16xf32>,
      %get3A_20 = arith.index_cast %add3A_17 : i32 to index
      %get3A_21 = arith.constant 16 : index
      %get3A_22 = tpu.vector_load %arg4[%get3A_20, %get3A_21] {strides = array<i32>} : memref<125x80xi32, #tpu.memory_space<vmem>>, vector<16xi32>,
      tpu.vector_store_idx %arg5[%get3A_22], %broadcast_in_dim3A_7 {add = true} : memref<10240xf32, #tpu.memory_space<vmem>>[vector<16xi32>], vector<16xf32>,
      %get3A_23 = arith.index_cast %add3A_17 : i32 to index
      %get3A_24 = arith.constant 32 : index
      %get3A_25 = tpu.vector_load %arg4[%get3A_23, %get3A_24] {strides = array<i32>} : memref<125x80xi32, #tpu.memory_space<vmem>>, vector<16xi32>,
      tpu.vector_store_idx %arg5[%get3A_25], %broadcast_in_dim3A_7 {add = true} : memref<10240xf32, #tpu.memory_space<vmem>>[vector<16xi32>], vector<16xf32>,
      %get3A_26 = arith.index_cast %add3A_17 : i32 to index
      %get3A_27 = arith.constant 48 : index
      %get3A_28 = tpu.vector_load %arg4[%get3A_26, %get3A_27] {strides = array<i32>} : memref<125x80xi32, #tpu.memory_space<vmem>>, vector<16xi32>,
      tpu.vector_store_idx %arg5[%get3A_28], %broadcast_in_dim3A_7 {add = true} : memref<10240xf32, #tpu.memory_space<vmem>>[vector<16xi32>], vector<16xf32>,
      %get3A_29 = arith.index_cast %add3A_17 : i32 to index
      %get3A_30 = arith.constant 64 : index
      %get3A_31 = tpu.vector_load %arg4[%get3A_29, %get3A_30] {strides = array<i32>} : memref<125x80xi32, #tpu.memory_space<vmem>>, vector<16xi32>,
      tpu.vector_store_idx %arg5[%get3A_31], %broadcast_in_dim3A_7 {add = true} : memref<10240xf32, #tpu.memory_space<vmem>>[vector<16xi32>], vector<16xf32>,
    }
    %scan3A_12 = arith.constant 125 : i32
    %run_scoped3A = arith.constant 0 : i32
    "tpu.region"() ({
      %run_scoped3A_13 = tpu.sem_alloc : memref<!tpu.dma_semaphore, #tpu.memory_space<semaphore_mem>>
      %dma_start3A = arith.constant 0 : i32
      %dma_start3A_14 = tpu.memref_slice %arg3[%add3A, %run_scoped3A, %dma_start3A] : memref<32x1x10240xf32, #tpu.memory_space<hbm>> -> memref<1x1x10240xf32, #tpu.memory_space<hbm>>
      %dma_start3A_15 = tpu.memref_squeeze %dma_start3A_14 : memref<1x1x10240xf32, #tpu.memory_space<hbm>> -> memref<10240xf32, #tpu.memory_space<hbm>>
      %dma_start3A_16 = arith.constant 0 : i32
      %dma_start3A_17 = tpu.memref_slice %arg3[%add3A, %run_scoped3A, %dma_start3A_16] : memref<32x1x10240xf32, #tpu.memory_space<hbm>> -> memref<1x1x10240xf32, #tpu.memory_space<hbm>>
      %dma_start3A_18 = tpu.memref_squeeze %dma_start3A_17 : memref<1x1x10240xf32, #tpu.memory_space<hbm>> -> memref<10240xf32, #tpu.memory_space<hbm>>
      tpu.enqueue_dma source(%arg5 : memref<10240xf32, #tpu.memory_space<vmem>>) target(%dma_start3A_18 : memref<10240xf32, #tpu.memory_space<hbm>>) target_semaphore(%run_scoped3A_13 : memref<!tpu.dma_semaphore, #tpu.memory_space<semaphore_mem>>)
      %dma_wait3A = arith.constant 0 : i32
      %dma_wait3A_19 = tpu.memref_slice %arg3[%add3A, %run_scoped3A, %dma_wait3A] : memref<32x1x10240xf32, #tpu.memory_space<hbm>> -> memref<1x1x10240xf32, #tpu.memory_space<hbm>>
      %dma_wait3A_20 = tpu.memref_squeeze %dma_wait3A_19 : memref<1x1x10240xf32, #tpu.memory_space<hbm>> -> memref<10240xf32, #tpu.memory_space<hbm>>
      %dma_wait3A_21 = arith.constant 0 : i32
      %dma_wait3A_22 = tpu.memref_slice %arg3[%add3A, %run_scoped3A, %dma_wait3A_21] : memref<32x1x10240xf32, #tpu.memory_space<hbm>> -> memref<1x1x10240xf32, #tpu.memory_space<hbm>>
      %dma_wait3A_23 = tpu.memref_squeeze %dma_wait3A_22 : memref<1x1x10240xf32, #tpu.memory_space<hbm>> -> memref<10240xf32, #tpu.memory_space<hbm>>
      tpu.wait_dma2 semaphore(%run_scoped3A_13 : memref<!tpu.dma_semaphore, #tpu.memory_space<semaphore_mem>>) src(%arg5 : memref<10240xf32, #tpu.memory_space<vmem>>) dst(%dma_wait3A_23 : memref<10240xf32, #tpu.memory_space<hbm>>)
      tpu.yield
    }) : () -> ()
    return
  }
}

#map = affine_map<(d0, d1) -> (0, 0)>
#map1 = affine_map<(d0, d1) -> (0, 0, 0)>
module attributes {stable_mosaic.version = 14 : i64} {
  func.func @_scatter_kernel_body(%arg0: i32, %arg1: i32, %arg2: memref<10240x128xf32, #tpu.memory_space<hbm>>, %arg3: memref<32x125x80xi32, #tpu.memory_space<hbm>>, %arg4: memref<32x125x80xi32, #tpu.memory_space<hbm>>, %arg5: memref<2x10240x128xf32, #tpu.memory_space<hbm>>, %arg6: memref<125x80xi32, #tpu.memory_space<vmem>>, %arg7: memref<125x80xi32, #tpu.memory_space<vmem>>, %arg8: memref<80x128xf32, #tpu.memory_space<vmem>>, %arg9: memref<10240x128xf32, #tpu.memory_space<vmem_shared>>, %arg10: memref<!tpu.dma_semaphore, #tpu.memory_space<semaphore_mem>>) attributes {dimension_semantics = [#tpu.dimension_semantics<core_parallel>, #tpu.dimension_semantics<subcore_parallel>], iteration_bounds = array<i64: 2, 16>, scalar_prefetch = 0 : i64, scratch_operands = 5 : i64, tpu.core_type = #tpu.core_type<sc_vector_subcore>, window_params = [{transform_indices = #map}, {transform_indices = #map1}, {transform_indices = #map1}, {transform_indices = #map1}]} {
    %mul3A = arith.constant 16 : i32
    %mul3A_0 = arith.muli %arg0, %mul3A : i32
    %add3A = arith.addi %mul3A_0, %arg1 : i32
    "tpu.region"() ({
      %run_scoped3A = tpu.sem_alloc : memref<!tpu.dma_semaphore, #tpu.memory_space<semaphore_mem>>
      %dma_start3A = arith.constant 0 : i32
      %dma_start3A_15 = arith.constant 0 : i32
      %dma_start3A_16 = tpu.memref_slice %arg3[%add3A, %dma_start3A, %dma_start3A_15] : memref<32x125x80xi32, #tpu.memory_space<hbm>> -> memref<1x125x80xi32, #tpu.memory_space<hbm>>
      %dma_start3A_17 = tpu.memref_squeeze %dma_start3A_16 : memref<1x125x80xi32, #tpu.memory_space<hbm>> -> memref<125x80xi32, #tpu.memory_space<hbm>>
      %dma_start3A_18 = arith.constant 0 : i32
      %dma_start3A_19 = arith.constant 0 : i32
      %dma_start3A_20 = tpu.memref_slice %arg3[%add3A, %dma_start3A_18, %dma_start3A_19] : memref<32x125x80xi32, #tpu.memory_space<hbm>> -> memref<1x125x80xi32, #tpu.memory_space<hbm>>
      %dma_start3A_21 = tpu.memref_squeeze %dma_start3A_20 : memref<1x125x80xi32, #tpu.memory_space<hbm>> -> memref<125x80xi32, #tpu.memory_space<hbm>>
      tpu.enqueue_dma source(%dma_start3A_21 : memref<125x80xi32, #tpu.memory_space<hbm>>) target(%arg6 : memref<125x80xi32, #tpu.memory_space<vmem>>) target_semaphore(%run_scoped3A : memref<!tpu.dma_semaphore, #tpu.memory_space<semaphore_mem>>)
      %dma_wait3A = arith.constant 0 : i32
      %dma_wait3A_22 = arith.constant 0 : i32
      %dma_wait3A_23 = tpu.memref_slice %arg3[%add3A, %dma_wait3A, %dma_wait3A_22] : memref<32x125x80xi32, #tpu.memory_space<hbm>> -> memref<1x125x80xi32, #tpu.memory_space<hbm>>
      %dma_wait3A_24 = tpu.memref_squeeze %dma_wait3A_23 : memref<1x125x80xi32, #tpu.memory_space<hbm>> -> memref<125x80xi32, #tpu.memory_space<hbm>>
      %dma_wait3A_25 = arith.constant 0 : i32
      %dma_wait3A_26 = arith.constant 0 : i32
      %dma_wait3A_27 = tpu.memref_slice %arg3[%add3A, %dma_wait3A_25, %dma_wait3A_26] : memref<32x125x80xi32, #tpu.memory_space<hbm>> -> memref<1x125x80xi32, #tpu.memory_space<hbm>>
      %dma_wait3A_28 = tpu.memref_squeeze %dma_wait3A_27 : memref<1x125x80xi32, #tpu.memory_space<hbm>> -> memref<125x80xi32, #tpu.memory_space<hbm>>
      tpu.wait_dma2 semaphore(%run_scoped3A : memref<!tpu.dma_semaphore, #tpu.memory_space<semaphore_mem>>) src(%dma_wait3A_28 : memref<125x80xi32, #tpu.memory_space<hbm>>) dst(%arg6 : memref<125x80xi32, #tpu.memory_space<vmem>>)
      tpu.yield
    }) : () -> ()
    "tpu.region"() ({
      %run_scoped3A = tpu.sem_alloc : memref<!tpu.dma_semaphore, #tpu.memory_space<semaphore_mem>>
      %dma_start3A = arith.constant 0 : i32
      %dma_start3A_15 = arith.constant 0 : i32
      %dma_start3A_16 = tpu.memref_slice %arg4[%add3A, %dma_start3A, %dma_start3A_15] : memref<32x125x80xi32, #tpu.memory_space<hbm>> -> memref<1x125x80xi32, #tpu.memory_space<hbm>>
      %dma_start3A_17 = tpu.memref_squeeze %dma_start3A_16 : memref<1x125x80xi32, #tpu.memory_space<hbm>> -> memref<125x80xi32, #tpu.memory_space<hbm>>
      %dma_start3A_18 = arith.constant 0 : i32
      %dma_start3A_19 = arith.constant 0 : i32
      %dma_start3A_20 = tpu.memref_slice %arg4[%add3A, %dma_start3A_18, %dma_start3A_19] : memref<32x125x80xi32, #tpu.memory_space<hbm>> -> memref<1x125x80xi32, #tpu.memory_space<hbm>>
      %dma_start3A_21 = tpu.memref_squeeze %dma_start3A_20 : memref<1x125x80xi32, #tpu.memory_space<hbm>> -> memref<125x80xi32, #tpu.memory_space<hbm>>
      tpu.enqueue_dma source(%dma_start3A_21 : memref<125x80xi32, #tpu.memory_space<hbm>>) target(%arg7 : memref<125x80xi32, #tpu.memory_space<vmem>>) target_semaphore(%run_scoped3A : memref<!tpu.dma_semaphore, #tpu.memory_space<semaphore_mem>>)
      %dma_wait3A = arith.constant 0 : i32
      %dma_wait3A_22 = arith.constant 0 : i32
      %dma_wait3A_23 = tpu.memref_slice %arg4[%add3A, %dma_wait3A, %dma_wait3A_22] : memref<32x125x80xi32, #tpu.memory_space<hbm>> -> memref<1x125x80xi32, #tpu.memory_space<hbm>>
      %dma_wait3A_24 = tpu.memref_squeeze %dma_wait3A_23 : memref<1x125x80xi32, #tpu.memory_space<hbm>> -> memref<125x80xi32, #tpu.memory_space<hbm>>
      %dma_wait3A_25 = arith.constant 0 : i32
      %dma_wait3A_26 = arith.constant 0 : i32
      %dma_wait3A_27 = tpu.memref_slice %arg4[%add3A, %dma_wait3A_25, %dma_wait3A_26] : memref<32x125x80xi32, #tpu.memory_space<hbm>> -> memref<1x125x80xi32, #tpu.memory_space<hbm>>
      %dma_wait3A_28 = tpu.memref_squeeze %dma_wait3A_27 : memref<1x125x80xi32, #tpu.memory_space<hbm>> -> memref<125x80xi32, #tpu.memory_space<hbm>>
      tpu.wait_dma2 semaphore(%run_scoped3A : memref<!tpu.dma_semaphore, #tpu.memory_space<semaphore_mem>>) src(%dma_wait3A_28 : memref<125x80xi32, #tpu.memory_space<hbm>>) dst(%arg7 : memref<125x80xi32, #tpu.memory_space<vmem>>)
      tpu.yield
    }) : () -> ()
    %mul3A_1 = arith.constant 640 : i32
    %mul3A_2 = arith.muli %arg1, %mul3A_1 : i32
    %mul3A_3 = arith.constant 640 : i32
    %mul3A_4 = arith.muli %arg1, %mul3A_3 : i32
    "tpu.region"() ({
      %run_scoped3A = tpu.sem_alloc : memref<!tpu.dma_semaphore, #tpu.memory_space<semaphore_mem>>
      %dma_start3A = arith.constant 0 : i32
      %dma_start3A_15 = tpu.memref_slice %arg9[%mul3A_4, %dma_start3A] : memref<10240x128xf32, #tpu.memory_space<vmem_shared>> -> memref<640x128xf32, #tpu.memory_space<vmem_shared>>
      %dma_start3A_16 = arith.constant 0 : i32
      %dma_start3A_17 = tpu.memref_slice %arg2[%mul3A_2, %dma_start3A_16] : memref<10240x128xf32, #tpu.memory_space<hbm>> -> memref<640x128xf32, #tpu.memory_space<hbm>>
      tpu.enqueue_dma source(%dma_start3A_17 : memref<640x128xf32, #tpu.memory_space<hbm>>) target(%dma_start3A_15 : memref<640x128xf32, #tpu.memory_space<vmem_shared>>) target_semaphore(%run_scoped3A : memref<!tpu.dma_semaphore, #tpu.memory_space<semaphore_mem>>)
      %dma_wait3A = arith.constant 0 : i32
      %dma_wait3A_18 = tpu.memref_slice %arg9[%mul3A_4, %dma_wait3A] : memref<10240x128xf32, #tpu.memory_space<vmem_shared>> -> memref<640x128xf32, #tpu.memory_space<vmem_shared>>
      %dma_wait3A_19 = arith.constant 0 : i32
      %dma_wait3A_20 = tpu.memref_slice %arg2[%mul3A_2, %dma_wait3A_19] : memref<10240x128xf32, #tpu.memory_space<hbm>> -> memref<640x128xf32, #tpu.memory_space<hbm>>
      tpu.wait_dma2 semaphore(%run_scoped3A : memref<!tpu.dma_semaphore, #tpu.memory_space<semaphore_mem>>) src(%dma_wait3A_20 : memref<640x128xf32, #tpu.memory_space<hbm>>) dst(%dma_wait3A_18 : memref<640x128xf32, #tpu.memory_space<vmem_shared>>)
      tpu.yield
    }) : () -> ()
    %barrier3A = arith.constant 0 : index
    tpu.barrier barrier_id(%barrier3A)
    %scan3A = arith.constant 0 : i32
    %scan3A_5 = arith.constant 0 : i32
    %scan3A_6 = arith.constant 125 : i32
    %scan3A_7 = arith.addi %scan3A_5, %scan3A_6 : i32
    %scan3A_8 = arith.constant 1 : i32
    scf.for %scan3A_15 = %scan3A_5 to %scan3A_7 step %scan3A_8  : i32 {
      %dma_start3A = arith.constant 0 : i32
      %dma_start3A_16 = tpu.memref_slice %arg6[%scan3A_15, %dma_start3A] : memref<125x80xi32, #tpu.memory_space<vmem>> -> memref<1x80xi32, #tpu.memory_space<vmem>>
      %dma_start3A_17 = tpu.memref_squeeze %dma_start3A_16 : memref<1x80xi32, #tpu.memory_space<vmem>> -> memref<80xi32, #tpu.memory_space<vmem>>
      %dma_start3A_18 = arith.constant 0 : i32
      %dma_start3A_19 = arith.constant 0 : i32
      %dma_start3A_20 = tpu.memref_slice %arg2[%dma_start3A_18, %dma_start3A_19] : memref<10240x128xf32, #tpu.memory_space<hbm>> -> memref<10240x128xf32, #tpu.memory_space<hbm>>
      tpu.enqueue_indirect_dma source(%dma_start3A_20 : memref<10240x128xf32, #tpu.memory_space<hbm>>) target(%arg8 : memref<80x128xf32, #tpu.memory_space<vmem>>) offsets(%dma_start3A_17 : memref<80xi32, #tpu.memory_space<vmem>>) semaphore(%arg10 : memref<!tpu.dma_semaphore, #tpu.memory_space<semaphore_mem>>)
      %dma_wait3A = arith.constant 0 : i32
      %dma_wait3A_21 = tpu.memref_slice %arg6[%scan3A_15, %dma_wait3A] : memref<125x80xi32, #tpu.memory_space<vmem>> -> memref<1x80xi32, #tpu.memory_space<vmem>>
      %dma_wait3A_22 = tpu.memref_squeeze %dma_wait3A_21 : memref<1x80xi32, #tpu.memory_space<vmem>> -> memref<80xi32, #tpu.memory_space<vmem>>
      %dma_wait3A_23 = arith.constant 0 : i32
      %dma_wait3A_24 = arith.constant 0 : i32
      %dma_wait3A_25 = tpu.memref_slice %arg2[%dma_wait3A_23, %dma_wait3A_24] : memref<10240x128xf32, #tpu.memory_space<hbm>> -> memref<10240x128xf32, #tpu.memory_space<hbm>>
      tpu.wait_indirect_dma semaphore(%arg10 : memref<!tpu.dma_semaphore, #tpu.memory_space<semaphore_mem>>) src(%dma_wait3A_25 : memref<10240x128xf32, #tpu.memory_space<hbm>>) dst(%arg8 : memref<80x128xf32, #tpu.memory_space<vmem>>)
      "tpu.region"() ({
        %run_scoped3A = tpu.sem_alloc : memref<!tpu.dma_semaphore, #tpu.memory_space<semaphore_mem>>
        %dma_start3A_26 = arith.constant 0 : i32
        %dma_start3A_27 = tpu.memref_slice %arg7[%scan3A_15, %dma_start3A_26] : memref<125x80xi32, #tpu.memory_space<vmem>> -> memref<1x80xi32, #tpu.memory_space<vmem>>
        %dma_start3A_28 = tpu.memref_squeeze %dma_start3A_27 : memref<1x80xi32, #tpu.memory_space<vmem>> -> memref<80xi32, #tpu.memory_space<vmem>>
        %dma_start3A_29 = arith.constant 0 : i32
        %dma_start3A_30 = arith.constant 0 : i32
        %dma_start3A_31 = tpu.memref_slice %arg9[%dma_start3A_29, %dma_start3A_30] : memref<10240x128xf32, #tpu.memory_space<vmem_shared>> -> memref<10240x128xf32, #tpu.memory_space<vmem_shared>>
        tpu.enqueue_indirect_dma source(%arg8 : memref<80x128xf32, #tpu.memory_space<vmem>>) target(%dma_start3A_31 : memref<10240x128xf32, #tpu.memory_space<vmem_shared>>) offsets(%dma_start3A_28 : memref<80xi32, #tpu.memory_space<vmem>>) semaphore(%run_scoped3A : memref<!tpu.dma_semaphore, #tpu.memory_space<semaphore_mem>>) {add = true}
        %dma_wait3A_32 = arith.constant 0 : i32
        %dma_wait3A_33 = tpu.memref_slice %arg7[%scan3A_15, %dma_wait3A_32] : memref<125x80xi32, #tpu.memory_space<vmem>> -> memref<1x80xi32, #tpu.memory_space<vmem>>
        %dma_wait3A_34 = tpu.memref_squeeze %dma_wait3A_33 : memref<1x80xi32, #tpu.memory_space<vmem>> -> memref<80xi32, #tpu.memory_space<vmem>>
        %dma_wait3A_35 = arith.constant 0 : i32
        %dma_wait3A_36 = arith.constant 0 : i32
        %dma_wait3A_37 = tpu.memref_slice %arg9[%dma_wait3A_35, %dma_wait3A_36] : memref<10240x128xf32, #tpu.memory_space<vmem_shared>> -> memref<10240x128xf32, #tpu.memory_space<vmem_shared>>
        tpu.wait_indirect_dma semaphore(%run_scoped3A : memref<!tpu.dma_semaphore, #tpu.memory_space<semaphore_mem>>) src(%arg8 : memref<80x128xf32, #tpu.memory_space<vmem>>) dst(%dma_wait3A_37 : memref<10240x128xf32, #tpu.memory_space<vmem_shared>>)
        tpu.yield
      }) : () -> ()
    }
    %scan3A_9 = arith.constant 125 : i32
    %barrier3A_10 = arith.constant 0 : index
    tpu.barrier barrier_id(%barrier3A_10)
    %mul3A_11 = arith.constant 640 : i32
    %mul3A_12 = arith.muli %arg1, %mul3A_11 : i32
    %mul3A_13 = arith.constant 640 : i32
    %mul3A_14 = arith.muli %arg1, %mul3A_13 : i32
    "tpu.region"() ({
      %run_scoped3A = tpu.sem_alloc : memref<!tpu.dma_semaphore, #tpu.memory_space<semaphore_mem>>
      %dma_start3A = arith.constant 0 : i32
      %dma_start3A_15 = tpu.memref_slice %arg5[%arg0, %mul3A_14, %dma_start3A] : memref<2x10240x128xf32, #tpu.memory_space<hbm>> -> memref<1x640x128xf32, #tpu.memory_space<hbm>>
      %dma_start3A_16 = tpu.memref_squeeze %dma_start3A_15 : memref<1x640x128xf32, #tpu.memory_space<hbm>> -> memref<640x128xf32, #tpu.memory_space<hbm>>
      %dma_start3A_17 = arith.constant 0 : i32
      %dma_start3A_18 = tpu.memref_slice %arg9[%mul3A_12, %dma_start3A_17] : memref<10240x128xf32, #tpu.memory_space<vmem_shared>> -> memref<640x128xf32, #tpu.memory_space<vmem_shared>>
      tpu.enqueue_dma source(%dma_start3A_18 : memref<640x128xf32, #tpu.memory_space<vmem_shared>>) target(%dma_start3A_16 : memref<640x128xf32, #tpu.memory_space<hbm>>) target_semaphore(%run_scoped3A : memref<!tpu.dma_semaphore, #tpu.memory_space<semaphore_mem>>)
      %dma_wait3A = arith.constant 0 : i32
      %dma_wait3A_19 = tpu.memref_slice %arg5[%arg0, %mul3A_14, %dma_wait3A] : memref<2x10240x128xf32, #tpu.memory_space<hbm>> -> memref<1x640x128xf32, #tpu.memory_space<hbm>>
      %dma_wait3A_20 = tpu.memref_squeeze %dma_wait3A_19 : memref<1x640x128xf32, #tpu.memory_space<hbm>> -> memref<640x128xf32, #tpu.memory_space<hbm>>
      %dma_wait3A_21 = arith.constant 0 : i32
      %dma_wait3A_22 = tpu.memref_slice %arg9[%mul3A_12, %dma_wait3A_21] : memref<10240x128xf32, #tpu.memory_space<vmem_shared>> -> memref<640x128xf32, #tpu.memory_space<vmem_shared>>
      tpu.wait_dma2 semaphore(%run_scoped3A : memref<!tpu.dma_semaphore, #tpu.memory_space<semaphore_mem>>) src(%dma_wait3A_22 : memref<640x128xf32, #tpu.memory_space<vmem_shared>>) dst(%dma_wait3A_20 : memref<640x128xf32, #tpu.memory_space<hbm>>)
      tpu.yield
    }) : () -> ()
    return
  }
}

#map = affine_map<(d0, d1) -> (0, 0)>
#map1 = affine_map<(d0, d1) -> (0, 0, 0)>
module attributes {stable_mosaic.version = 14 : i64} {
  func.func @_scatter_kernel_body(%arg0: i32, %arg1: i32, %arg2: memref<10240x128xf32, #tpu.memory_space<hbm>>, %arg3: memref<32x125x80xi32, #tpu.memory_space<hbm>>, %arg4: memref<32x125x80xi32, #tpu.memory_space<hbm>>, %arg5: memref<2x10240x128xf32, #tpu.memory_space<hbm>>, %arg6: memref<125x80xi32, #tpu.memory_space<vmem>>, %arg7: memref<125x80xi32, #tpu.memory_space<vmem>>, %arg8: memref<80x128xf32, #tpu.memory_space<vmem>>, %arg9: memref<10240x128xf32, #tpu.memory_space<vmem_shared>>, %arg10: memref<!tpu.dma_semaphore, #tpu.memory_space<semaphore_mem>>) attributes {dimension_semantics = [#tpu.dimension_semantics<core_parallel>, #tpu.dimension_semantics<subcore_parallel>], iteration_bounds = array<i64: 2, 16>, scalar_prefetch = 0 : i64, scratch_operands = 5 : i64, tpu.core_type = #tpu.core_type<sc_vector_subcore>, window_params = [{transform_indices = #map}, {transform_indices = #map1}, {transform_indices = #map1}, {transform_indices = #map1}]} {
    %mul3A = arith.constant 16 : i32
    %mul3A_0 = arith.muli %arg0, %mul3A : i32
    %add3A = arith.addi %mul3A_0, %arg1 : i32
    "tpu.region"() ({
      %run_scoped3A = tpu.sem_alloc : memref<!tpu.dma_semaphore, #tpu.memory_space<semaphore_mem>>
      %dma_start3A = arith.constant 0 : i32
      %dma_start3A_15 = arith.constant 0 : i32
      %dma_start3A_16 = tpu.memref_slice %arg3[%add3A, %dma_start3A, %dma_start3A_15] : memref<32x125x80xi32, #tpu.memory_space<hbm>> -> memref<1x125x80xi32, #tpu.memory_space<hbm>>
      %dma_start3A_17 = tpu.memref_squeeze %dma_start3A_16 : memref<1x125x80xi32, #tpu.memory_space<hbm>> -> memref<125x80xi32, #tpu.memory_space<hbm>>
      %dma_start3A_18 = arith.constant 0 : i32
      %dma_start3A_19 = arith.constant 0 : i32
      %dma_start3A_20 = tpu.memref_slice %arg3[%add3A, %dma_start3A_18, %dma_start3A_19] : memref<32x125x80xi32, #tpu.memory_space<hbm>> -> memref<1x125x80xi32, #tpu.memory_space<hbm>>
      %dma_start3A_21 = tpu.memref_squeeze %dma_start3A_20 : memref<1x125x80xi32, #tpu.memory_space<hbm>> -> memref<125x80xi32, #tpu.memory_space<hbm>>
      tpu.enqueue_dma source(%dma_start3A_21 : memref<125x80xi32, #tpu.memory_space<hbm>>) target(%arg6 : memref<125x80xi32, #tpu.memory_space<vmem>>) target_semaphore(%run_scoped3A : memref<!tpu.dma_semaphore, #tpu.memory_space<semaphore_mem>>)
      %dma_wait3A = arith.constant 0 : i32
      %dma_wait3A_22 = arith.constant 0 : i32
      %dma_wait3A_23 = tpu.memref_slice %arg3[%add3A, %dma_wait3A, %dma_wait3A_22] : memref<32x125x80xi32, #tpu.memory_space<hbm>> -> memref<1x125x80xi32, #tpu.memory_space<hbm>>
      %dma_wait3A_24 = tpu.memref_squeeze %dma_wait3A_23 : memref<1x125x80xi32, #tpu.memory_space<hbm>> -> memref<125x80xi32, #tpu.memory_space<hbm>>
      %dma_wait3A_25 = arith.constant 0 : i32
      %dma_wait3A_26 = arith.constant 0 : i32
      %dma_wait3A_27 = tpu.memref_slice %arg3[%add3A, %dma_wait3A_25, %dma_wait3A_26] : memref<32x125x80xi32, #tpu.memory_space<hbm>> -> memref<1x125x80xi32, #tpu.memory_space<hbm>>
      %dma_wait3A_28 = tpu.memref_squeeze %dma_wait3A_27 : memref<1x125x80xi32, #tpu.memory_space<hbm>> -> memref<125x80xi32, #tpu.memory_space<hbm>>
      tpu.wait_dma2 semaphore(%run_scoped3A : memref<!tpu.dma_semaphore, #tpu.memory_space<semaphore_mem>>) src(%dma_wait3A_28 : memref<125x80xi32, #tpu.memory_space<hbm>>) dst(%arg6 : memref<125x80xi32, #tpu.memory_space<vmem>>)
      tpu.yield
    }) : () -> ()
    "tpu.region"() ({
      %run_scoped3A = tpu.sem_alloc : memref<!tpu.dma_semaphore, #tpu.memory_space<semaphore_mem>>
      %dma_start3A = arith.constant 0 : i32
      %dma_start3A_15 = arith.constant 0 : i32
      %dma_start3A_16 = tpu.memref_slice %arg4[%add3A, %dma_start3A, %dma_start3A_15] : memref<32x125x80xi32, #tpu.memory_space<hbm>> -> memref<1x125x80xi32, #tpu.memory_space<hbm>>
      %dma_start3A_17 = tpu.memref_squeeze %dma_start3A_16 : memref<1x125x80xi32, #tpu.memory_space<hbm>> -> memref<125x80xi32, #tpu.memory_space<hbm>>
      %dma_start3A_18 = arith.constant 0 : i32
      %dma_start3A_19 = arith.constant 0 : i32
      %dma_start3A_20 = tpu.memref_slice %arg4[%add3A, %dma_start3A_18, %dma_start3A_19] : memref<32x125x80xi32, #tpu.memory_space<hbm>> -> memref<1x125x80xi32, #tpu.memory_space<hbm>>
      %dma_start3A_21 = tpu.memref_squeeze %dma_start3A_20 : memref<1x125x80xi32, #tpu.memory_space<hbm>> -> memref<125x80xi32, #tpu.memory_space<hbm>>
      tpu.enqueue_dma source(%dma_start3A_21 : memref<125x80xi32, #tpu.memory_space<hbm>>) target(%arg7 : memref<125x80xi32, #tpu.memory_space<vmem>>) target_semaphore(%run_scoped3A : memref<!tpu.dma_semaphore, #tpu.memory_space<semaphore_mem>>)
      %dma_wait3A = arith.constant 0 : i32
      %dma_wait3A_22 = arith.constant 0 : i32
      %dma_wait3A_23 = tpu.memref_slice %arg4[%add3A, %dma_wait3A, %dma_wait3A_22] : memref<32x125x80xi32, #tpu.memory_space<hbm>> -> memref<1x125x80xi32, #tpu.memory_space<hbm>>
      %dma_wait3A_24 = tpu.memref_squeeze %dma_wait3A_23 : memref<1x125x80xi32, #tpu.memory_space<hbm>> -> memref<125x80xi32, #tpu.memory_space<hbm>>
      %dma_wait3A_25 = arith.constant 0 : i32
      %dma_wait3A_26 = arith.constant 0 : i32
      %dma_wait3A_27 = tpu.memref_slice %arg4[%add3A, %dma_wait3A_25, %dma_wait3A_26] : memref<32x125x80xi32, #tpu.memory_space<hbm>> -> memref<1x125x80xi32, #tpu.memory_space<hbm>>
      %dma_wait3A_28 = tpu.memref_squeeze %dma_wait3A_27 : memref<1x125x80xi32, #tpu.memory_space<hbm>> -> memref<125x80xi32, #tpu.memory_space<hbm>>
      tpu.wait_dma2 semaphore(%run_scoped3A : memref<!tpu.dma_semaphore, #tpu.memory_space<semaphore_mem>>) src(%dma_wait3A_28 : memref<125x80xi32, #tpu.memory_space<hbm>>) dst(%arg7 : memref<125x80xi32, #tpu.memory_space<vmem>>)
      tpu.yield
    }) : () -> ()
    %mul3A_1 = arith.constant 640 : i32
    %mul3A_2 = arith.muli %arg1, %mul3A_1 : i32
    %mul3A_3 = arith.constant 640 : i32
    %mul3A_4 = arith.muli %arg1, %mul3A_3 : i32
    "tpu.region"() ({
      %run_scoped3A = tpu.sem_alloc : memref<!tpu.dma_semaphore, #tpu.memory_space<semaphore_mem>>
      %dma_start3A = arith.constant 0 : i32
      %dma_start3A_15 = tpu.memref_slice %arg9[%mul3A_4, %dma_start3A] : memref<10240x128xf32, #tpu.memory_space<vmem_shared>> -> memref<640x128xf32, #tpu.memory_space<vmem_shared>>
      %dma_start3A_16 = arith.constant 0 : i32
      %dma_start3A_17 = tpu.memref_slice %arg2[%mul3A_2, %dma_start3A_16] : memref<10240x128xf32, #tpu.memory_space<hbm>> -> memref<640x128xf32, #tpu.memory_space<hbm>>
      tpu.enqueue_dma source(%dma_start3A_17 : memref<640x128xf32, #tpu.memory_space<hbm>>) target(%dma_start3A_15 : memref<640x128xf32, #tpu.memory_space<vmem_shared>>) target_semaphore(%run_scoped3A : memref<!tpu.dma_semaphore, #tpu.memory_space<semaphore_mem>>)
      %dma_wait3A = arith.constant 0 : i32
      %dma_wait3A_18 = tpu.memref_slice %arg9[%mul3A_4, %dma_wait3A] : memref<10240x128xf32, #tpu.memory_space<vmem_shared>> -> memref<640x128xf32, #tpu.memory_space<vmem_shared>>
      %dma_wait3A_19 = arith.constant 0 : i32
      %dma_wait3A_20 = tpu.memref_slice %arg2[%mul3A_2, %dma_wait3A_19] : memref<10240x128xf32, #tpu.memory_space<hbm>> -> memref<640x128xf32, #tpu.memory_space<hbm>>
      tpu.wait_dma2 semaphore(%run_scoped3A : memref<!tpu.dma_semaphore, #tpu.memory_space<semaphore_mem>>) src(%dma_wait3A_20 : memref<640x128xf32, #tpu.memory_space<hbm>>) dst(%dma_wait3A_18 : memref<640x128xf32, #tpu.memory_space<vmem_shared>>)
      tpu.yield
    }) : () -> ()
    %barrier3A = arith.constant 0 : index
    tpu.barrier barrier_id(%barrier3A)
    %scan3A = arith.constant 0 : i32
    %scan3A_5 = arith.constant 0 : i32
    %scan3A_6 = arith.constant 125 : i32
    %scan3A_7 = arith.addi %scan3A_5, %scan3A_6 : i32
    %scan3A_8 = arith.constant 1 : i32
    scf.for %scan3A_15 = %scan3A_5 to %scan3A_7 step %scan3A_8  : i32 {
      %dma_start3A = arith.constant 0 : i32
      %dma_start3A_16 = tpu.memref_slice %arg6[%scan3A_15, %dma_start3A] : memref<125x80xi32, #tpu.memory_space<vmem>> -> memref<1x80xi32, #tpu.memory_space<vmem>>
      %dma_start3A_17 = tpu.memref_squeeze %dma_start3A_16 : memref<1x80xi32, #tpu.memory_space<vmem>> -> memref<80xi32, #tpu.memory_space<vmem>>
      %dma_start3A_18 = arith.constant 0 : i32
      %dma_start3A_19 = arith.constant 0 : i32
      %dma_start3A_20 = tpu.memref_slice %arg2[%dma_start3A_18, %dma_start3A_19] : memref<10240x128xf32, #tpu.memory_space<hbm>> -> memref<10240x128xf32, #tpu.memory_space<hbm>>
      tpu.enqueue_indirect_dma source(%dma_start3A_20 : memref<10240x128xf32, #tpu.memory_space<hbm>>) target(%arg8 : memref<80x128xf32, #tpu.memory_space<vmem>>) offsets(%dma_start3A_17 : memref<80xi32, #tpu.memory_space<vmem>>) semaphore(%arg10 : memref<!tpu.dma_semaphore, #tpu.memory_space<semaphore_mem>>)
      %dma_wait3A = arith.constant 0 : i32
      %dma_wait3A_21 = tpu.memref_slice %arg6[%scan3A_15, %dma_wait3A] : memref<125x80xi32, #tpu.memory_space<vmem>> -> memref<1x80xi32, #tpu.memory_space<vmem>>
      %dma_wait3A_22 = tpu.memref_squeeze %dma_wait3A_21 : memref<1x80xi32, #tpu.memory_space<vmem>> -> memref<80xi32, #tpu.memory_space<vmem>>
      %dma_wait3A_23 = arith.constant 0 : i32
      %dma_wait3A_24 = arith.constant 0 : i32
      %dma_wait3A_25 = tpu.memref_slice %arg2[%dma_wait3A_23, %dma_wait3A_24] : memref<10240x128xf32, #tpu.memory_space<hbm>> -> memref<10240x128xf32, #tpu.memory_space<hbm>>
      tpu.wait_indirect_dma semaphore(%arg10 : memref<!tpu.dma_semaphore, #tpu.memory_space<semaphore_mem>>) src(%dma_wait3A_25 : memref<10240x128xf32, #tpu.memory_space<hbm>>) dst(%arg8 : memref<80x128xf32, #tpu.memory_space<vmem>>)
      "tpu.region"() ({
        %run_scoped3A = tpu.sem_alloc : memref<!tpu.dma_semaphore, #tpu.memory_space<semaphore_mem>>
        %dma_start3A_26 = arith.constant 0 : i32
        %dma_start3A_27 = tpu.memref_slice %arg7[%scan3A_15, %dma_start3A_26] : memref<125x80xi32, #tpu.memory_space<vmem>> -> memref<1x80xi32, #tpu.memory_space<vmem>>
        %dma_start3A_28 = tpu.memref_squeeze %dma_start3A_27 : memref<1x80xi32, #tpu.memory_space<vmem>> -> memref<80xi32, #tpu.memory_space<vmem>>
        %dma_start3A_29 = arith.constant 0 : i32
        %dma_start3A_30 = arith.constant 0 : i32
        %dma_start3A_31 = tpu.memref_slice %arg9[%dma_start3A_29, %dma_start3A_30] : memref<10240x128xf32, #tpu.memory_space<vmem_shared>> -> memref<10240x128xf32, #tpu.memory_space<vmem_shared>>
        tpu.enqueue_indirect_dma source(%arg8 : memref<80x128xf32, #tpu.memory_space<vmem>>) target(%dma_start3A_31 : memref<10240x128xf32, #tpu.memory_space<vmem_shared>>) offsets(%dma_start3A_28 : memref<80xi32, #tpu.memory_space<vmem>>) semaphore(%run_scoped3A : memref<!tpu.dma_semaphore, #tpu.memory_space<semaphore_mem>>) {add = true}
        %dma_wait3A_32 = arith.constant 0 : i32
        %dma_wait3A_33 = tpu.memref_slice %arg7[%scan3A_15, %dma_wait3A_32] : memref<125x80xi32, #tpu.memory_space<vmem>> -> memref<1x80xi32, #tpu.memory_space<vmem>>
        %dma_wait3A_34 = tpu.memref_squeeze %dma_wait3A_33 : memref<1x80xi32, #tpu.memory_space<vmem>> -> memref<80xi32, #tpu.memory_space<vmem>>
        %dma_wait3A_35 = arith.constant 0 : i32
        %dma_wait3A_36 = arith.constant 0 : i32
        %dma_wait3A_37 = tpu.memref_slice %arg9[%dma_wait3A_35, %dma_wait3A_36] : memref<10240x128xf32, #tpu.memory_space<vmem_shared>> -> memref<10240x128xf32, #tpu.memory_space<vmem_shared>>
        tpu.wait_indirect_dma semaphore(%run_scoped3A : memref<!tpu.dma_semaphore, #tpu.memory_space<semaphore_mem>>) src(%arg8 : memref<80x128xf32, #tpu.memory_space<vmem>>) dst(%dma_wait3A_37 : memref<10240x128xf32, #tpu.memory_space<vmem_shared>>)
        tpu.yield
      }) : () -> ()
    }
    %scan3A_9 = arith.constant 125 : i32
    %barrier3A_10 = arith.constant 0 : index
    tpu.barrier barrier_id(%barrier3A_10)
    %mul3A_11 = arith.constant 640 : i32
    %mul3A_12 = arith.muli %arg1, %mul3A_11 : i32
    %mul3A_13 = arith.constant 640 : i32
    %mul3A_14 = arith.muli %arg1, %mul3A_13 : i32
    "tpu.region"() ({
      %run_scoped3A = tpu.sem_alloc : memref<!tpu.dma_semaphore, #tpu.memory_space<semaphore_mem>>
      %dma_start3A = arith.constant 0 : i32
      %dma_start3A_15 = tpu.memref_slice %arg5[%arg0, %mul3A_14, %dma_start3A] : memref<2x10240x128xf32, #tpu.memory_space<hbm>> -> memref<1x640x128xf32, #tpu.memory_space<hbm>>
      %dma_start3A_16 = tpu.memref_squeeze %dma_start3A_15 : memref<1x640x128xf32, #tpu.memory_space<hbm>> -> memref<640x128xf32, #tpu.memory_space<hbm>>
      %dma_start3A_17 = arith.constant 0 : i32
      %dma_start3A_18 = tpu.memref_slice %arg9[%mul3A_12, %dma_start3A_17] : memref<10240x128xf32, #tpu.memory_space<vmem_shared>> -> memref<640x128xf32, #tpu.memory_space<vmem_shared>>
      tpu.enqueue_dma source(%dma_start3A_18 : memref<640x128xf32, #tpu.memory_space<vmem_shared>>) target(%dma_start3A_16 : memref<640x128xf32, #tpu.memory_space<hbm>>) target_semaphore(%run_scoped3A : memref<!tpu.dma_semaphore, #tpu.memory_space<semaphore_mem>>)
      %dma_wait3A = arith.constant 0 : i32
      %dma_wait3A_19 = tpu.memref_slice %arg5[%arg0, %mul3A_14, %dma_wait3A] : memref<2x10240x128xf32, #tpu.memory_space<hbm>> -> memref<1x640x128xf32, #tpu.memory_space<hbm>>
      %dma_wait3A_20 = tpu.memref_squeeze %dma_wait3A_19 : memref<1x640x128xf32, #tpu.memory_space<hbm>> -> memref<640x128xf32, #tpu.memory_space<hbm>>
      %dma_wait3A_21 = arith.constant 0 : i32
      %dma_wait3A_22 = tpu.memref_slice %arg9[%mul3A_12, %dma_wait3A_21] : memref<10240x128xf32, #tpu.memory_space<vmem_shared>> -> memref<640x128xf32, #tpu.memory_space<vmem_shared>>
      tpu.wait_dma2 semaphore(%run_scoped3A : memref<!tpu.dma_semaphore, #tpu.memory_space<semaphore_mem>>) src(%dma_wait3A_22 : memref<640x128xf32, #tpu.memory_space<vmem_shared>>) dst(%dma_wait3A_20 : memref<640x128xf32, #tpu.memory_space<hbm>>)
      tpu.yield
    }) : () -> ()
    return
  }
}

module attributes {stable_mosaic.version = 14 : i64} {
  func.func @_ka_body(%arg0: i32, %arg1: memref<32x1x1x1024xf32, #tpu.memory_space<vmem>>, %arg2: memref<1024x128xf32, #tpu.memory_space<vmem>>, %arg3: memref<128x128xf32, #tpu.memory_space<vmem>>, %arg4: memref<1024x128xf32, #tpu.memory_space<vmem>>) attributes {dimension_semantics = [#tpu.dimension_semantics<arbitrary>], iteration_bounds = array<i64: 10>, scalar_prefetch = 0 : i64, scratch_operands = 0 : i64, tpu.core_type = #tpu.core_type<tc>, window_params = [{transform_indices = @transform_0, window_bounds = array<i64: 32, 1, 1, 1024>}, {transform_indices = @transform_1, window_bounds = array<i64: 1024, 128>}, {pipeline_mode = #tpu.pipeline_mode<synchronous>, transform_indices = @transform_2, window_bounds = array<i64: 128, 128>}, {transform_indices = @transform_3, window_bounds = array<i64: 1024, 128>}]} {
    %get3A = arith.constant 0 : index
    %get3A_0 = arith.constant 0 : index
    %get3A_1 = arith.constant 0 : index
    %get3A_2 = arith.constant 0 : index
    %get3A_3 = vector.load %arg1[%get3A, %get3A_0, %get3A_1, %get3A_2] : memref<32x1x1x1024xf32, #tpu.memory_space<vmem>>, vector<32x1x1x1024xf32>
    %get3A_4 = vector.shape_cast %get3A_3 : vector<32x1x1x1024xf32> to vector<32x1024xf32>
    %broadcast_in_dim3A = arith.constant 1.000000e+00 : f32
    %broadcast_in_dim3A_5 = vector.broadcast %broadcast_in_dim3A : f32 to vector<32x1xf32>
    %dot_general3A = arith.constant dense<0.000000e+00> : vector<1024x1xf32>
    %dot_general3A_6 = tpu.matmul %get3A_4, %broadcast_in_dim3A_5, %dot_general3A {dimension_numbers = #tpu.dot_dimension_numbers<[0], [0], [1], [1], [0, 1, 1, 1], [], []>, transpose_lhs_hint = false} : vector<32x1024xf32>, vector<32x1xf32>, vector<1024x1xf32> -> vector<1024x1xf32>
    %add3A = arith.constant 1.000000e+00 : f32
    %add3A_7 = vector.broadcast %add3A : f32 to vector<1024x1xf32>
    %add3A_8 = arith.addf %dot_general3A_6, %add3A_7 : vector<1024x1xf32>
    %rsqrt3A = math.rsqrt %add3A_8 : vector<1024x1xf32>
    %get3A_9 = arith.constant 0 : index
    %get3A_10 = arith.constant 0 : index
    %get3A_11 = vector.load %arg2[%get3A_9, %get3A_10] : memref<1024x128xf32, #tpu.memory_space<vmem>>, vector<1024x128xf32>
    %get3A_12 = arith.constant 0 : index
    %get3A_13 = arith.constant 0 : index
    %get3A_14 = vector.load %arg3[%get3A_12, %get3A_13] : memref<128x128xf32, #tpu.memory_space<vmem>>, vector<128x128xf32>
    %dot_general3A_15 = arith.constant dense<0.000000e+00> : vector<1024x128xf32>
    %dot_general3A_16 = tpu.matmul %get3A_11, %get3A_14, %dot_general3A_15 {dimension_numbers = #tpu.dot_dimension_numbers<[1], [0], [0], [1], [0, 0, 1, 1], [], []>, transpose_lhs_hint = false} : vector<1024x128xf32>, vector<128x128xf32>, vector<1024x128xf32> -> vector<1024x128xf32>
    %mul3A = vector.broadcast %rsqrt3A : vector<1024x1xf32> to vector<1024x128xf32>
    %mul3A_17 = arith.mulf %dot_general3A_16, %mul3A : vector<1024x128xf32>
    %swap3A = arith.constant 0 : index
    %swap3A_18 = arith.constant 0 : index
    %swap3A_19 = vector.load %arg4[%swap3A, %swap3A_18] : memref<1024x128xf32, #tpu.memory_space<vmem>>, vector<1024x128xf32>
    tpu.vector_store %arg4[%swap3A, %swap3A_18], %mul3A_17 {strides = array<i32>} : memref<1024x128xf32, #tpu.memory_space<vmem>>, vector<1024x128xf32>,
    return
  }
  func.func @transform_0(%arg0: i32) -> (i32, i32, i32, i32) {
    %c0_i32 = arith.constant 0 : i32
    %c0_i32_0 = arith.constant 0 : i32
    %c0_i32_1 = arith.constant 0 : i32
    %c0_i32_2 = arith.constant 0 : i32
    return %c0_i32, %arg0, %c0_i32_0, %c0_i32_1 : i32, i32, i32, i32
  }
  func.func @transform_1(%arg0: i32) -> (i32, i32) {
    %c0_i32 = arith.constant 0 : i32
    %c0_i32_0 = arith.constant 0 : i32
    return %arg0, %c0_i32 : i32, i32
  }
  func.func @transform_2(%arg0: i32) -> (i32, i32) {
    %c0_i32 = arith.constant 0 : i32
    %c0_i32_0 = arith.constant 0 : i32
    %c0_i32_1 = arith.constant 0 : i32
    return %c0_i32, %c0_i32_0 : i32, i32
  }
  func.func @transform_3(%arg0: i32) -> (i32, i32) {
    %c0_i32 = arith.constant 0 : i32
    %c0_i32_0 = arith.constant 0 : i32
    return %arg0, %c0_i32 : i32, i32
  }
}

module attributes {stable_mosaic.version = 14 : i64} {
  func.func @_kb_body(%arg0: i32, %arg1: memref<32x1x1x1024xf32, #tpu.memory_space<vmem>>, %arg2: memref<1024x128xf32, #tpu.memory_space<vmem>>, %arg3: memref<2x1024x128xf32, #tpu.memory_space<vmem>>, %arg4: memref<128x128xf32, #tpu.memory_space<vmem>>, %arg5: memref<1x128xf32, #tpu.memory_space<vmem>>, %arg6: memref<1024x128xf32, #tpu.memory_space<vmem>>, %arg7: memref<1024x128xf32, #tpu.memory_space<vmem>>) attributes {dimension_semantics = [#tpu.dimension_semantics<arbitrary>], iteration_bounds = array<i64: 10>, scalar_prefetch = 0 : i64, scratch_operands = 0 : i64, tpu.core_type = #tpu.core_type<tc>, window_params = [{transform_indices = @transform_0, window_bounds = array<i64: 32, 1, 1, 1024>}, {transform_indices = @transform_1, window_bounds = array<i64: 1024, 128>}, {transform_indices = @transform_2, window_bounds = array<i64: 2, 1024, 128>}, {pipeline_mode = #tpu.pipeline_mode<synchronous>, transform_indices = @transform_3, window_bounds = array<i64: 128, 128>}, {pipeline_mode = #tpu.pipeline_mode<synchronous>, transform_indices = @transform_4, window_bounds = array<i64: 1, 128>}, {transform_indices = @transform_5, window_bounds = array<i64: 1024, 128>}, {transform_indices = @transform_6, window_bounds = array<i64: 1024, 128>}]} {
    %get3A = arith.constant 0 : index
    %get3A_0 = arith.constant 0 : index
    %get3A_1 = arith.constant 0 : index
    %get3A_2 = arith.constant 0 : index
    %get3A_3 = vector.load %arg1[%get3A, %get3A_0, %get3A_1, %get3A_2] : memref<32x1x1x1024xf32, #tpu.memory_space<vmem>>, vector<32x1x1x1024xf32>
    %get3A_4 = vector.shape_cast %get3A_3 : vector<32x1x1x1024xf32> to vector<32x1024xf32>
    %broadcast_in_dim3A = arith.constant 1.000000e+00 : f32
    %broadcast_in_dim3A_5 = vector.broadcast %broadcast_in_dim3A : f32 to vector<32x1xf32>
    %dot_general3A = arith.constant dense<0.000000e+00> : vector<1024x1xf32>
    %dot_general3A_6 = tpu.matmul %get3A_4, %broadcast_in_dim3A_5, %dot_general3A {dimension_numbers = #tpu.dot_dimension_numbers<[0], [0], [1], [1], [0, 1, 1, 1], [], []>, transpose_lhs_hint = false} : vector<32x1024xf32>, vector<32x1xf32>, vector<1024x1xf32> -> vector<1024x1xf32>
    %add3A = arith.constant 1.000000e+00 : f32
    %add3A_7 = vector.broadcast %add3A : f32 to vector<1024x1xf32>
    %add3A_8 = arith.addf %dot_general3A_6, %add3A_7 : vector<1024x1xf32>
    %rsqrt3A = math.rsqrt %add3A_8 : vector<1024x1xf32>
    %get3A_9 = arith.constant 0 : index
    %get3A_10 = arith.constant 0 : index
    %get3A_11 = arith.constant 0 : index
    %get3A_12 = vector.load %arg3[%get3A_9, %get3A_10, %get3A_11] : memref<2x1024x128xf32, #tpu.memory_space<vmem>>, vector<1x1024x128xf32>
    %get3A_13 = vector.shape_cast %get3A_12 : vector<1x1024x128xf32> to vector<1024x128xf32>
    %get3A_14 = arith.constant 1 : index
    %get3A_15 = arith.constant 0 : index
    %get3A_16 = arith.constant 0 : index
    %get3A_17 = vector.load %arg3[%get3A_14, %get3A_15, %get3A_16] : memref<2x1024x128xf32, #tpu.memory_space<vmem>>, vector<1x1024x128xf32>
    %get3A_18 = vector.shape_cast %get3A_17 : vector<1x1024x128xf32> to vector<1024x128xf32>
    %add3A_19 = arith.addf %get3A_13, %get3A_18 : vector<1024x128xf32>
    %get3A_20 = arith.constant 0 : index
    %get3A_21 = arith.constant 0 : index
    %get3A_22 = vector.load %arg2[%get3A_20, %get3A_21] : memref<1024x128xf32, #tpu.memory_space<vmem>>, vector<1024x128xf32>
    %sub3A = arith.subf %add3A_19, %get3A_22 : vector<1024x128xf32>
    %mul3A = vector.broadcast %rsqrt3A : vector<1024x1xf32> to vector<1024x128xf32>
    %mul3A_23 = arith.mulf %mul3A, %sub3A : vector<1024x128xf32>
    %get3A_24 = arith.constant 0 : index
    %get3A_25 = arith.constant 0 : index
    %get3A_26 = vector.load %arg5[%get3A_24, %get3A_25] : memref<1x128xf32, #tpu.memory_space<vmem>>, vector<1x128xf32>
    %add3A_27 = vector.broadcast %get3A_26 : vector<1x128xf32> to vector<1024x128xf32>
    %add3A_28 = arith.addf %mul3A_23, %add3A_27 : vector<1024x128xf32>
    %swap3A = arith.constant 0 : index
    %swap3A_29 = arith.constant 0 : index
    %swap3A_30 = vector.load %arg6[%swap3A, %swap3A_29] : memref<1024x128xf32, #tpu.memory_space<vmem>>, vector<1024x128xf32>
    tpu.vector_store %arg6[%swap3A, %swap3A_29], %add3A_28 {strides = array<i32>} : memref<1024x128xf32, #tpu.memory_space<vmem>>, vector<1024x128xf32>,
    %get3A_31 = arith.constant 0 : index
    %get3A_32 = arith.constant 0 : index
    %get3A_33 = vector.load %arg4[%get3A_31, %get3A_32] : memref<128x128xf32, #tpu.memory_space<vmem>>, vector<128x128xf32>
    %dot_general3A_34 = arith.constant dense<0.000000e+00> : vector<1024x128xf32>
    %dot_general3A_35 = tpu.matmul %add3A_28, %get3A_33, %dot_general3A_34 {dimension_numbers = #tpu.dot_dimension_numbers<[1], [0], [0], [1], [0, 0, 1, 1], [], []>, transpose_lhs_hint = false} : vector<1024x128xf32>, vector<128x128xf32>, vector<1024x128xf32> -> vector<1024x128xf32>
    %mul3A_36 = vector.broadcast %rsqrt3A : vector<1024x1xf32> to vector<1024x128xf32>
    %mul3A_37 = arith.mulf %dot_general3A_35, %mul3A_36 : vector<1024x128xf32>
    %swap3A_38 = arith.constant 0 : index
    %swap3A_39 = arith.constant 0 : index
    %swap3A_40 = vector.load %arg7[%swap3A_38, %swap3A_39] : memref<1024x128xf32, #tpu.memory_space<vmem>>, vector<1024x128xf32>
    tpu.vector_store %arg7[%swap3A_38, %swap3A_39], %mul3A_37 {strides = array<i32>} : memref<1024x128xf32, #tpu.memory_space<vmem>>, vector<1024x128xf32>,
    return
  }
  func.func @transform_0(%arg0: i32) -> (i32, i32, i32, i32) {
    %c0_i32 = arith.constant 0 : i32
    %c0_i32_0 = arith.constant 0 : i32
    %c0_i32_1 = arith.constant 0 : i32
    %c0_i32_2 = arith.constant 0 : i32
    return %c0_i32, %arg0, %c0_i32_0, %c0_i32_1 : i32, i32, i32, i32
  }
  func.func @transform_1(%arg0: i32) -> (i32, i32) {
    %c0_i32 = arith.constant 0 : i32
    %c0_i32_0 = arith.constant 0 : i32
    return %arg0, %c0_i32 : i32, i32
  }
  func.func @transform_2(%arg0: i32) -> (i32, i32, i32) {
    %c0_i32 = arith.constant 0 : i32
    %c0_i32_0 = arith.constant 0 : i32
    %c0_i32_1 = arith.constant 0 : i32
    return %c0_i32, %arg0, %c0_i32_0 : i32, i32, i32
  }
  func.func @transform_3(%arg0: i32) -> (i32, i32) {
    %c0_i32 = arith.constant 0 : i32
    %c0_i32_0 = arith.constant 0 : i32
    %c0_i32_1 = arith.constant 0 : i32
    return %c0_i32, %c0_i32_0 : i32, i32
  }
  func.func @transform_4(%arg0: i32) -> (i32, i32) {
    %c0_i32 = arith.constant 0 : i32
    %c0_i32_0 = arith.constant 0 : i32
    %c0_i32_1 = arith.constant 0 : i32
    return %c0_i32, %c0_i32_0 : i32, i32
  }
  func.func @transform_5(%arg0: i32) -> (i32, i32) {
    %c0_i32 = arith.constant 0 : i32
    %c0_i32_0 = arith.constant 0 : i32
    return %arg0, %c0_i32 : i32, i32
  }
  func.func @transform_6(%arg0: i32) -> (i32, i32) {
    %c0_i32 = arith.constant 0 : i32
    %c0_i32_0 = arith.constant 0 : i32
    return %arg0, %c0_i32 : i32, i32
  }
}

module attributes {stable_mosaic.version = 14 : i64} {
  func.func @_kc_body(%arg0: i32, %arg1: memref<32x1x1x1024xf32, #tpu.memory_space<vmem>>, %arg2: memref<1024x128xf32, #tpu.memory_space<vmem>>, %arg3: memref<2x1024x128xf32, #tpu.memory_space<vmem>>, %arg4: memref<1x128xf32, #tpu.memory_space<vmem>>, %arg5: memref<1024x128xf32, #tpu.memory_space<vmem>>, %arg6: memref<1x1x1024xi32, #tpu.memory_space<vmem>>, %arg7: memref<256x256xf32, #tpu.memory_space<vmem>>, %arg8: memref<1x256xf32, #tpu.memory_space<vmem>>, %arg9: memref<256x128xf32, #tpu.memory_space<vmem>>, %arg10: memref<1x128xf32, #tpu.memory_space<vmem>>, %arg11: memref<64x128xf32, #tpu.memory_space<vmem>>, %arg12: memref<64x128xf32, #tpu.memory_space<vmem>>, %arg13: memref<64x256xf32, #tpu.memory_space<vmem>>) attributes {dimension_semantics = [#tpu.dimension_semantics<arbitrary>], iteration_bounds = array<i64: 10>, scalar_prefetch = 0 : i64, scratch_operands = 1 : i64, tpu.core_type = #tpu.core_type<tc>, window_params = [{transform_indices = @transform_0, window_bounds = array<i64: 32, 1, 1, 1024>}, {transform_indices = @transform_1, window_bounds = array<i64: 1024, 128>}, {transform_indices = @transform_2, window_bounds = array<i64: 2, 1024, 128>}, {pipeline_mode = #tpu.pipeline_mode<synchronous>, transform_indices = @transform_3, window_bounds = array<i64: 1, 128>}, {transform_indices = @transform_4, window_bounds = array<i64: 1024, 128>}, {transform_indices = @transform_5, window_bounds = array<i64: 1, 1, 1024>}, {pipeline_mode = #tpu.pipeline_mode<synchronous>, transform_indices = @transform_6, window_bounds = array<i64: 256, 256>}, {pipeline_mode = #tpu.pipeline_mode<synchronous>, transform_indices = @transform_7, window_bounds = array<i64: 1, 256>}, {pipeline_mode = #tpu.pipeline_mode<synchronous>, transform_indices = @transform_8, window_bounds = array<i64: 256, 128>}, {pipeline_mode = #tpu.pipeline_mode<synchronous>, transform_indices = @transform_9, window_bounds = array<i64: 1, 128>}, {pipeline_mode = #tpu.pipeline_mode<synchronous>, transform_indices = @transform_10, window_bounds = array<i64: 64, 128>}, {pipeline_mode = #tpu.pipeline_mode<synchronous>, transform_indices = @transform_11, window_bounds = array<i64: 64, 128>}]} {
    %get3A = arith.constant 0 : index
    %get3A_0 = arith.constant 0 : index
    %get3A_1 = arith.constant 0 : index
    %get3A_2 = arith.constant 0 : index
    %get3A_3 = vector.load %arg1[%get3A, %get3A_0, %get3A_1, %get3A_2] : memref<32x1x1x1024xf32, #tpu.memory_space<vmem>>, vector<32x1x1x1024xf32>
    %get3A_4 = vector.shape_cast %get3A_3 : vector<32x1x1x1024xf32> to vector<32x1024xf32>
    %broadcast_in_dim3A = arith.constant 1.000000e+00 : f32
    %broadcast_in_dim3A_5 = vector.broadcast %broadcast_in_dim3A : f32 to vector<32x1xf32>
    %dot_general3A = arith.constant dense<0.000000e+00> : vector<1024x1xf32>
    %dot_general3A_6 = tpu.matmul %get3A_4, %broadcast_in_dim3A_5, %dot_general3A {dimension_numbers = #tpu.dot_dimension_numbers<[0], [0], [1], [1], [0, 1, 1, 1], [], []>, transpose_lhs_hint = false} : vector<32x1024xf32>, vector<32x1xf32>, vector<1024x1xf32> -> vector<1024x1xf32>
    %add3A = arith.constant 1.000000e+00 : f32
    %add3A_7 = vector.broadcast %add3A : f32 to vector<1024x1xf32>
    %add3A_8 = arith.addf %dot_general3A_6, %add3A_7 : vector<1024x1xf32>
    %rsqrt3A = math.rsqrt %add3A_8 : vector<1024x1xf32>
    %get3A_9 = arith.constant 0 : index
    %get3A_10 = arith.constant 0 : index
    %get3A_11 = arith.constant 0 : index
    %get3A_12 = vector.load %arg3[%get3A_9, %get3A_10, %get3A_11] : memref<2x1024x128xf32, #tpu.memory_space<vmem>>, vector<1x1024x128xf32>
    %get3A_13 = vector.shape_cast %get3A_12 : vector<1x1024x128xf32> to vector<1024x128xf32>
    %get3A_14 = arith.constant 1 : index
    %get3A_15 = arith.constant 0 : index
    %get3A_16 = arith.constant 0 : index
    %get3A_17 = vector.load %arg3[%get3A_14, %get3A_15, %get3A_16] : memref<2x1024x128xf32, #tpu.memory_space<vmem>>, vector<1x1024x128xf32>
    %get3A_18 = vector.shape_cast %get3A_17 : vector<1x1024x128xf32> to vector<1024x128xf32>
    %add3A_19 = arith.addf %get3A_13, %get3A_18 : vector<1024x128xf32>
    %get3A_20 = arith.constant 0 : index
    %get3A_21 = arith.constant 0 : index
    %get3A_22 = vector.load %arg2[%get3A_20, %get3A_21] : memref<1024x128xf32, #tpu.memory_space<vmem>>, vector<1024x128xf32>
    %sub3A = arith.subf %add3A_19, %get3A_22 : vector<1024x128xf32>
    %mul3A = vector.broadcast %rsqrt3A : vector<1024x1xf32> to vector<1024x128xf32>
    %mul3A_23 = arith.mulf %mul3A, %sub3A : vector<1024x128xf32>
    %get3A_24 = arith.constant 0 : index
    %get3A_25 = arith.constant 0 : index
    %get3A_26 = vector.load %arg4[%get3A_24, %get3A_25] : memref<1x128xf32, #tpu.memory_space<vmem>>, vector<1x128xf32>
    %add3A_27 = vector.broadcast %get3A_26 : vector<1x128xf32> to vector<1024x128xf32>
    %add3A_28 = arith.addf %mul3A_23, %add3A_27 : vector<1024x128xf32>
    %iota3A = tpu.iota {dimensions = array<i32: 0>} : vector<64x1024xi32>
    %get3A_29 = arith.constant 0 : index
    %get3A_30 = arith.constant 0 : index
    %get3A_31 = arith.constant 0 : index
    %get3A_32 = vector.load %arg6[%get3A_29, %get3A_30, %get3A_31] : memref<1x1x1024xi32, #tpu.memory_space<vmem>>, vector<1x1x1024xi32>
    %get3A_33 = vector.shape_cast %get3A_32 : vector<1x1x1024xi32> to vector<1x1024xi32>
    %eq3A = vector.broadcast %get3A_33 : vector<1x1024xi32> to vector<64x1024xi32>
    %eq3A_34 = arith.cmpi eq, %iota3A, %eq3A : vector<64x1024xi32>
    %convert_element_type3A = arith.extui %eq3A_34 : vector<64x1024xi1> to vector<64x1024xi32>
    %convert_element_type3A_35 = arith.sitofp %convert_element_type3A : vector<64x1024xi32> to vector<64x1024xf32>
    %get3A_36 = arith.constant 0 : index
    %get3A_37 = arith.constant 0 : index
    %get3A_38 = vector.load %arg5[%get3A_36, %get3A_37] : memref<1024x128xf32, #tpu.memory_space<vmem>>, vector<1024x128xf32>
    %dot_general3A_39 = arith.constant dense<0.000000e+00> : vector<64x128xf32>
    %dot_general3A_40 = tpu.matmul %convert_element_type3A_35, %get3A_38, %dot_general3A_39 {dimension_numbers = #tpu.dot_dimension_numbers<[1], [0], [0], [1], [0, 0, 1, 1], [], []>, transpose_lhs_hint = false} : vector<64x1024xf32>, vector<1024x128xf32>, vector<64x128xf32> -> vector<64x128xf32>
    %dot_general3A_41 = arith.constant dense<0.000000e+00> : vector<64x128xf32>
    %dot_general3A_42 = tpu.matmul %convert_element_type3A_35, %add3A_28, %dot_general3A_41 {dimension_numbers = #tpu.dot_dimension_numbers<[1], [0], [0], [1], [0, 0, 1, 1], [], []>, transpose_lhs_hint = false} : vector<64x1024xf32>, vector<1024x128xf32>, vector<64x128xf32> -> vector<64x128xf32>
    %eq3A_43 = arith.constant 0 : i32
    %eq3A_44 = arith.cmpi eq, %arg0, %eq3A_43 : i32
    %convert_element_type3A_45 = arith.extui %eq3A_44 : i1 to i32
    %cond3A = arith.constant 0 : i32
    %cond3A_46 = arith.cmpi ne, %convert_element_type3A_45, %cond3A : i32
    scf.if %cond3A_46 {
      %swap3A = arith.constant 0 : index
      %swap3A_56 = arith.constant 0 : index
      %swap3A_57 = vector.load %arg13[%swap3A, %swap3A_56] : memref<64x256xf32, #tpu.memory_space<vmem>>, vector<64x128xf32>
      tpu.vector_store %arg13[%swap3A, %swap3A_56], %dot_general3A_40 {strides = array<i32>} : memref<64x256xf32, #tpu.memory_space<vmem>>, vector<64x128xf32>,
      %swap3A_58 = arith.constant 0 : index
      %swap3A_59 = arith.constant 128 : index
      %swap3A_60 = vector.load %arg13[%swap3A_58, %swap3A_59] : memref<64x256xf32, #tpu.memory_space<vmem>>, vector<64x128xf32>
      tpu.vector_store %arg13[%swap3A_58, %swap3A_59], %dot_general3A_42 {strides = array<i32>} : memref<64x256xf32, #tpu.memory_space<vmem>>, vector<64x128xf32>,
    } else {
    }
    %gt3A = arith.constant 0 : i32
    %gt3A_47 = arith.cmpi sgt, %arg0, %gt3A : i32
    %convert_element_type3A_48 = arith.extui %gt3A_47 : i1 to i32
    %cond3A_49 = arith.constant 0 : i32
    %cond3A_50 = arith.cmpi ne, %convert_element_type3A_48, %cond3A_49 : i32
    scf.if %cond3A_50 {
      %get3A_56 = arith.constant 0 : index
      %get3A_57 = arith.constant 0 : index
      %get3A_58 = vector.load %arg13[%get3A_56, %get3A_57] : memref<64x256xf32, #tpu.memory_space<vmem>>, vector<64x128xf32>
      %add3A_59 = arith.addf %get3A_58, %dot_general3A_40 : vector<64x128xf32>
      %swap3A = arith.constant 0 : index
      %swap3A_60 = arith.constant 0 : index
      %swap3A_61 = vector.load %arg13[%swap3A, %swap3A_60] : memref<64x256xf32, #tpu.memory_space<vmem>>, vector<64x128xf32>
      tpu.vector_store %arg13[%swap3A, %swap3A_60], %add3A_59 {strides = array<i32>} : memref<64x256xf32, #tpu.memory_space<vmem>>, vector<64x128xf32>,
      %get3A_62 = arith.constant 0 : index
      %get3A_63 = arith.constant 128 : index
      %get3A_64 = vector.load %arg13[%get3A_62, %get3A_63] : memref<64x256xf32, #tpu.memory_space<vmem>>, vector<64x128xf32>
      %add3A_65 = arith.addf %get3A_64, %dot_general3A_42 : vector<64x128xf32>
      %swap3A_66 = arith.constant 0 : index
      %swap3A_67 = arith.constant 128 : index
      %swap3A_68 = vector.load %arg13[%swap3A_66, %swap3A_67] : memref<64x256xf32, #tpu.memory_space<vmem>>, vector<64x128xf32>
      tpu.vector_store %arg13[%swap3A_66, %swap3A_67], %add3A_65 {strides = array<i32>} : memref<64x256xf32, #tpu.memory_space<vmem>>, vector<64x128xf32>,
    } else {
    }
    %eq3A_51 = arith.constant 9 : i32
    %eq3A_52 = arith.cmpi eq, %arg0, %eq3A_51 : i32
    %convert_element_type3A_53 = arith.extui %eq3A_52 : i1 to i32
    %cond3A_54 = arith.constant 0 : i32
    %cond3A_55 = arith.cmpi ne, %convert_element_type3A_53, %cond3A_54 : i32
    scf.if %cond3A_55 {
      %get3A_56 = arith.constant 0 : index
      %get3A_57 = arith.constant 0 : index
      %get3A_58 = vector.load %arg13[%get3A_56, %get3A_57] : memref<64x256xf32, #tpu.memory_space<vmem>>, vector<64x256xf32>
      %get3A_59 = arith.constant 0 : index
      %get3A_60 = arith.constant 0 : index
      %get3A_61 = vector.load %arg7[%get3A_59, %get3A_60] : memref<256x256xf32, #tpu.memory_space<vmem>>, vector<256x256xf32>
      %dot_general3A_62 = arith.constant dense<0.000000e+00> : vector<64x256xf32>
      %dot_general3A_63 = tpu.matmul %get3A_58, %get3A_61, %dot_general3A_62 {dimension_numbers = #tpu.dot_dimension_numbers<[1], [0], [0], [1], [0, 0, 1, 1], [], []>, transpose_lhs_hint = false} : vector<64x256xf32>, vector<256x256xf32>, vector<64x256xf32> -> vector<64x256xf32>
      %get3A_64 = arith.constant 0 : index
      %get3A_65 = arith.constant 0 : index
      %get3A_66 = vector.load %arg8[%get3A_64, %get3A_65] : memref<1x256xf32, #tpu.memory_space<vmem>>, vector<1x256xf32>
      %add3A_67 = vector.broadcast %get3A_66 : vector<1x256xf32> to vector<64x256xf32>
      %add3A_68 = arith.addf %dot_general3A_63, %add3A_67 : vector<64x256xf32>
      %max3A = arith.constant 0.000000e+00 : f32
      %max3A_69 = vector.broadcast %max3A : f32 to vector<64x256xf32>
      %max3A_70 = arith.maximumf %add3A_68, %max3A_69 : vector<64x256xf32>
      %get3A_71 = arith.constant 0 : index
      %get3A_72 = arith.constant 0 : index
      %get3A_73 = vector.load %arg9[%get3A_71, %get3A_72] : memref<256x128xf32, #tpu.memory_space<vmem>>, vector<256x128xf32>
      %dot_general3A_74 = arith.constant dense<0.000000e+00> : vector<64x128xf32>
      %dot_general3A_75 = tpu.matmul %max3A_70, %get3A_73, %dot_general3A_74 {dimension_numbers = #tpu.dot_dimension_numbers<[1], [0], [0], [1], [0, 0, 1, 1], [], []>, transpose_lhs_hint = false} : vector<64x256xf32>, vector<256x128xf32>, vector<64x128xf32> -> vector<64x128xf32>
      %get3A_76 = arith.constant 0 : index
      %get3A_77 = arith.constant 0 : index
      %get3A_78 = vector.load %arg10[%get3A_76, %get3A_77] : memref<1x128xf32, #tpu.memory_space<vmem>>, vector<1x128xf32>
      %add3A_79 = vector.broadcast %get3A_78 : vector<1x128xf32> to vector<64x128xf32>
      %add3A_80 = arith.addf %dot_general3A_75, %add3A_79 : vector<64x128xf32>
      %swap3A = arith.constant 0 : index
      %swap3A_81 = arith.constant 0 : index
      %swap3A_82 = vector.load %arg11[%swap3A, %swap3A_81] : memref<64x128xf32, #tpu.memory_space<vmem>>, vector<64x128xf32>
      tpu.vector_store %arg11[%swap3A, %swap3A_81], %add3A_80 {strides = array<i32>} : memref<64x128xf32, #tpu.memory_space<vmem>>, vector<64x128xf32>,
      %iota3A_83 = tpu.iota {dimensions = array<i32: 1>} : vector<64x128xi32>
      %lt3A = arith.constant 10 : i32
      %lt3A_84 = vector.broadcast %lt3A : i32 to vector<64x128xi32>
      %lt3A_85 = arith.cmpi slt, %iota3A_83, %lt3A_84 : vector<64x128xi32>
      %jit3A = arith.constant -1.000000e+30 : f32
      %broadcast_in_dim3A_86 = vector.broadcast %jit3A : f32 to vector<64x128xf32>
      %select_n3A = arith.select %lt3A_85, %add3A_80, %broadcast_in_dim3A_86 : vector<64x128xi1>, vector<64x128xf32>
      %reduce_max3A = arith.constant dense<0xFF800000> : vector<64xf32>
      %reduce_max3A_87 = vector.multi_reduction <maximumf>, %select_n3A, %reduce_max3A [1] : vector<64x128xf32> to vector<64xf32>
      %broadcast_in_dim3A_88 = vector.shape_cast %reduce_max3A_87 : vector<64xf32> to vector<64x1xf32>
      %sub3A_89 = vector.broadcast %broadcast_in_dim3A_88 : vector<64x1xf32> to vector<64x128xf32>
      %sub3A_90 = arith.subf %select_n3A, %sub3A_89 : vector<64x128xf32>
      %exp3A = math.exp %sub3A_90 : vector<64x128xf32>
      %reduce_sum3A = arith.constant dense<0.000000e+00> : vector<64xf32>
      %reduce_sum3A_91 = vector.multi_reduction <add>, %exp3A, %reduce_sum3A [1] : vector<64x128xf32> to vector<64xf32>
      %broadcast_in_dim3A_92 = vector.shape_cast %reduce_sum3A_91 : vector<64xf32> to vector<64x1xf32>
      %log3A = math.log %broadcast_in_dim3A_92 : vector<64x1xf32>
      %add3A_93 = arith.addf %log3A, %broadcast_in_dim3A_88 : vector<64x1xf32>
      %sub3A_94 = vector.broadcast %add3A_93 : vector<64x1xf32> to vector<64x128xf32>
      %sub3A_95 = arith.subf %add3A_80, %sub3A_94 : vector<64x128xf32>
      %swap3A_96 = arith.constant 0 : index
      %swap3A_97 = arith.constant 0 : index
      %swap3A_98 = vector.load %arg12[%swap3A_96, %swap3A_97] : memref<64x128xf32, #tpu.memory_space<vmem>>, vector<64x128xf32>
      tpu.vector_store %arg12[%swap3A_96, %swap3A_97], %sub3A_95 {strides = array<i32>} : memref<64x128xf32, #tpu.memory_space<vmem>>, vector<64x128xf32>,
    } else {
    }
    return
  }
  func.func @transform_0(%arg0: i32) -> (i32, i32, i32, i32) {
    %c0_i32 = arith.constant 0 : i32
    %c0_i32_0 = arith.constant 0 : i32
    %c0_i32_1 = arith.constant 0 : i32
    %c0_i32_2 = arith.constant 0 : i32
    return %c0_i32, %arg0, %c0_i32_0, %c0_i32_1 : i32, i32, i32, i32
  }
  func.func @transform_1(%arg0: i32) -> (i32, i32) {
    %c0_i32 = arith.constant 0 : i32
    %c0_i32_0 = arith.constant 0 : i32
    return %arg0, %c0_i32 : i32, i32
  }
  func.func @transform_2(%arg0: i32) -> (i32, i32, i32) {
    %c0_i32 = arith.constant 0 : i32
    %c0_i32_0 = arith.constant 0 : i32
    %c0_i32_1 = arith.constant 0 : i32
    return %c0_i32, %arg0, %c0_i32_0 : i32, i32, i32
  }
  func.func @transform_3(%arg0: i32) -> (i32, i32) {
    %c0_i32 = arith.constant 0 : i32
    %c0_i32_0 = arith.constant 0 : i32
    %c0_i32_1 = arith.constant 0 : i32
    return %c0_i32, %c0_i32_0 : i32, i32
  }
  func.func @transform_4(%arg0: i32) -> (i32, i32) {
    %c0_i32 = arith.constant 0 : i32
    %c0_i32_0 = arith.constant 0 : i32
    return %arg0, %c0_i32 : i32, i32
  }
  func.func @transform_5(%arg0: i32) -> (i32, i32, i32) {
    %c0_i32 = arith.constant 0 : i32
    %c0_i32_0 = arith.constant 0 : i32
    %c0_i32_1 = arith.constant 0 : i32
    return %arg0, %c0_i32, %c0_i32_0 : i32, i32, i32
  }
  func.func @transform_6(%arg0: i32) -> (i32, i32) {
    %c0_i32 = arith.constant 0 : i32
    %c0_i32_0 = arith.constant 0 : i32
    %c0_i32_1 = arith.constant 0 : i32
    return %c0_i32, %c0_i32_0 : i32, i32
  }
  func.func @transform_7(%arg0: i32) -> (i32, i32) {
    %c0_i32 = arith.constant 0 : i32
    %c0_i32_0 = arith.constant 0 : i32
    %c0_i32_1 = arith.constant 0 : i32
    return %c0_i32, %c0_i32_0 : i32, i32
  }
  func.func @transform_8(%arg0: i32) -> (i32, i32) {
    %c0_i32 = arith.constant 0 : i32
    %c0_i32_0 = arith.constant 0 : i32
    %c0_i32_1 = arith.constant 0 : i32
    return %c0_i32, %c0_i32_0 : i32, i32
  }
  func.func @transform_9(%arg0: i32) -> (i32, i32) {
    %c0_i32 = arith.constant 0 : i32
    %c0_i32_0 = arith.constant 0 : i32
    %c0_i32_1 = arith.constant 0 : i32
    return %c0_i32, %c0_i32_0 : i32, i32
  }
  func.func @transform_10(%arg0: i32) -> (i32, i32) {
    %c0_i32 = arith.constant 0 : i32
    %c0_i32_0 = arith.constant 0 : i32
    %c0_i32_1 = arith.constant 0 : i32
    return %c0_i32, %c0_i32_0 : i32, i32
  }
  func.func @transform_11(%arg0: i32) -> (i32, i32) {
    %c0_i32 = arith.constant 0 : i32
    %c0_i32_0 = arith.constant 0 : i32
    %c0_i32_1 = arith.constant 0 : i32
    return %c0_i32, %c0_i32_0 : i32, i32
  }
}

</mosaic_0001>

<sc_bundles>
// kernel: kernel.11.cloned.1.call-start
scs
__scs_entry_jumppad:
0x0: {  	(pc) =	sbr.rel $0x88, $3  }
0x1: {  	(tag) =	ssettag $0x0;
	lr =	simm.s32 $0x1  }
0x2: {  	[smem:$0x3F96] =	sst lr;
	_ =	strace $0xD0000000  }
0x3: {  	_ = 	snop  }
0x4: {  	_ = 	snop  }
0x5: {  	_ = 	snop  }
0x6: {  	_ = 	snop  }
0x7: {  	_ = 	snop  }
__scs_overlays_trampoline_lowered:
0x8: {  	[smem:$0x3FA5] =	sst s0  }
0x9: {  	[smem:$0x3FA6] =	sst s1  }
0xa: {  	[smem:$0x3FA7] =	sst s2  }
0xb: {  	[smem:$0x3FA8] =	sst s3  }
0xc: {  	[smem:$0x3FA9] =	sst s4  }
0xd: {  	[smem:$0x3FAA] =	sst s5  }
0xe: {  	[smem:$0x3FAB] =	sst s6  }
0xf: {  	[smem:$0x3FAC] =	sst s7  }
0x10: {  	[smem:$0x3FAD] =	sst s8  }
0x11: {  	[smem:$0x3FAE] =	sst s9;
	s0 =	simm.s32 @!p0 $0x0  }
0x12: {  	s1 =	sld [smem:$0x3F94];
	s0 =	simm.s32 @p0 $0x1  }
0x13: {  	[smem:$0x3FAF] =	sst s0;
	s0 =	simm.s32 @!p1 $0x0  }
0x14: {  	s2 =	sld [smem:$0x3F93];
	s0 =	simm.s32 @p1 $0x1  }
0x15: {  	[smem:$0x3FB0] =	sst s0;
	s0 =	simm.s32 @!p2 $0x0  }
0x16: {  	s3 =	sld [smem:$0x3FDB];
	s0 =	simm.s32 @p2 $0x1  }
0x17: {  	s4 =	simm.s32 $0x1BF5;
	[smem:$0x3FB2] =	sst s0  }
0x18: {  	s0 =	sld [smem:$0x3F95];
	_ =	swait.ge [sflag:s4], $0x0  }
0x19: {  	s7 =	sld [smem:$0x3F96]  }
0x1a: {  	s8 =	sadd.s32 $0xFFFFE003, lr  }
0x1b: {  	s9 =	sadd.s32 $0xFFFFFEF7, lr;
	s5 =	simm.s32 $0xFFFFFFFF;
	p2 =	slt.u32 s8, $0xFFFFF086  }
0x1c: {  	p1 =	slt.u32 s9, $0xF7A;
	s5 =	simm.s32 @!p2 $0x0  }
0x1d: {  	s5 =	simm.s32 @p1 $0x1;
	p0 =	seq.s32 s7, s2  }
0x1e: {  	s7 =	smul.u32 @!p0 $0xF7A, s2;
	p2 =	seq.s32 @!p0 s5, $0x0  }
0x1f: {  	s9 =	smul.u32 $0xF7A, s1;
	s8 =	simm.s32 @!p0 $0x1BF5;
	p2 =	por !p2, p0  }
0x20: {  	[sflag:s8] =	ssyncset.s32 @!p0 $0xFFFFF086;
	s6 =	sadd.s32 @!p0 s3, s7;
	s7 =	simm.s32 @!p0 $0x108  }
0x21: {  	s3 =	sadd.s32 s3, s9;
	s6 =	sadd.s32 @!p0 $0x88, s6;
	s7 =	simm.s32 @p2 $0x1082  }
0x22: {  	[simem:s7], [sflag:s8] =	dma.local @!p0 [hbm:s6], $0xF7A  }
0x23: {  	s9 =	sor.u32 $0xD0000000, s2;
	s6 =	simm.s32 $0x108;
	_ =	swait.ge @!p0 [sflag:s8], $0x0  }
0x24: {  	s3 =	sadd.s32 $0x88, s3;
	s6 =	simm.s32 @!p1 $0x1082;
	[sflag:s4] =	ssyncset.s32 $0xFFFFF086  }
0x25: {  	[simem:s6], [sflag:s4] =	dma.local [hbm:s3], $0xF7A  }
0x26: {  	[smem:$0x3F96] =	sst s1;
	(tag) =	ssettag s2;
	_ =	strace s9  }
0x27: {  	s1 =	sld [smem:$0x3FA6]  }
0x28: {  	s2 =	sld [smem:$0x3FA7]  }
0x29: {  	s4 =	sld [smem:$0x3FA9]  }
0x2a: {  	p0 =	seq.s32 s5, $0x0;
	s5 =	sld [smem:$0x3FAA]  }
0x2b: {  	s6 =	sld [smem:$0x3FAB]  }
0x2c: {  	s7 =	sld [smem:$0x3FAC]  }
0x2d: {  	s3 =	simm.s32 $0x108;
	s8 =	sld [smem:$0x3FAD]  }
0x2e: {  	s3 =	simm.s32 @!p0 $0x1082;
	s9 =	sld [smem:$0x3FAE]  }
0x2f: {  	lr =	sadd.s32 s0, s3;
	s0 =	sld [smem:$0x3FA5]  }
0x30: {  	s3 =	sld [smem:$0x3FA8]  }
0x31: {  	[smem:$0x3FB1] =	sst s10  }
0x32: {  	s10 =	sld [smem:$0x3FAF];
	_ =	sdelay $0x3  }
0x33: {  	p0 =	seq.s32 s10, $0x1;
	s10 =	sld [smem:$0x3FB1];
	_ =	sdelay $0x3  }
0x34: {  	[smem:$0x3FB1] =	sst s10  }
0x35: {  	s10 =	sld [smem:$0x3FB0];
	_ =	sdelay $0x3  }
0x36: {  	p1 =	seq.s32 s10, $0x1;
	s10 =	sld [smem:$0x3FB1];
	_ =	sdelay $0x3  }
0x37: {  	[smem:$0x3FB1] =	sst s10  }
0x38: {  	s10 =	sld [smem:$0x3FB2]  }
0x39: {  	_ = 	snop;
	(pc) =	sbr.ind lr, $3  }
0x3a: {  	_ = 	snop  }
0x3b: {  	_ = 	snop  }
0x3c: {  	p2 =	seq.s32 s10, $0x1;
	s10 =	sld [smem:$0x3FB1]  }
0x3d: {  	_ =	shalt  }
0x3e: {  	_ =	shalt  }
0x3f: {  	_ =	shalt  }
0x40: {  	_ =	shalt  }
0x41: {  	_ =	shalt  }
0x42: {  	_ =	shalt  }
0x43: {  	_ =	shalt  }
0x44: {  	_ =	shalt  }
0x45: {  	_ =	shalt  }
0x46: {  	_ =	shalt  }
0x47: {  	_ =	shalt  }
0x48: {  	_ =	shalt  }
0x49: {  	_ =	shalt  }
0x4a: {  	_ =	shalt  }
0x4b: {  	_ =	shalt  }
0x4c: {  	_ =	shalt  }
0x4d: {  	_ =	shalt  }
0x4e: {  	_ =	shalt  }
0x4f: {  	_ =	shalt  }
0x50: {  	_ =	shalt  }
0x51: {  	_ =	shalt  }
0x52: {  	_ =	shalt  }
0x53: {  	_ =	shalt  }
0x54: {  	_ =	shalt  }
0x55: {  	_ =	shalt  }
0x56: {  	_ =	shalt  }
0x57: {  	_ =	shalt  }
0x58: {  	_ =	shalt  }
0x59: {  	_ =	shalt  }
0x5a: {  	_ =	shalt  }
0x5b: {  	_ =	shalt  }
0x5c: {  	_ =	shalt  }
0x5d: {  	_ =	shalt  }
0x5e: {  	_ =	shalt  }
0x5f: {  	_ =	shalt  }
0x60: {  	_ =	shalt  }
0x61: {  	_ =	shalt  }
0x62: {  	_ =	shalt  }
0x63: {  	_ =	shalt  }
0x64: {  	_ =	shalt  }
0x65: {  	_ =	shalt  }
0x66: {  	_ =	shalt  }
0x67: {  	_ =	shalt  }
0x68: {  	_ =	shalt  }
0x69: {  	_ =	shalt  }
0x6a: {  	_ =	shalt  }
0x6b: {  	_ =	shalt  }
0x6c: {  	_ =	shalt  }
0x6d: {  	_ =	shalt  }
0x6e: {  	_ =	shalt  }
0x6f: {  	_ =	shalt  }
0x70: {  	_ =	shalt  }
0x71: {  	_ =	shalt  }
0x72: {  	_ =	shalt  }
0x73: {  	_ =	shalt  }
0x74: {  	_ =	shalt  }
0x75: {  	_ =	shalt  }
0x76: {  	_ =	shalt  }
0x77: {  	_ =	shalt  }
0x78: {  	_ =	shalt  }
0x79: {  	_ =	shalt  }
0x7a: {  	_ =	shalt  }
0x7b: {  	_ =	shalt  }
0x7c: {  	_ =	shalt  }
0x7d: {  	_ =	shalt  }
0x7e: {  	_ =	shalt  }
0x7f: {  	_ =	shalt  }
0x80: {  	_ =	shalt  }
0x81: {  	_ =	shalt  }
0x82: {  	_ =	shalt  }
0x83: {  	_ =	shalt  }
0x84: {  	_ =	shalt  }
0x85: {  	_ =	shalt  }
0x86: {  	_ =	shalt  }
0x87: {  	_ =	shalt  }
.Lfunc_end0:
.L_simem_size_0:
called_computation.1_lowered:
.L_overlay_start_0:
0x88: {  	s2 =	sld [smem:$0x3FD9]  }
0x89: {  	s3 =	sld [smem:$0x3FFE];
	_ =	sdelay $0x1  }
0x8a: {  	s1 =	srdreg.scid  }
0x8b: {  	s0 =	sand.u32 $0x1, s1  }
0x8c: {  	s16 =	sshll.u32 s0, $0xA;
	s2 =	sadd.s32 s3, s2  }
0x8d: {  	s2 =	sadd.s32 s2, s16  }
0x8e: {  	[smem:$0x3FBD] =	sst s2  }
0x8f: {  	_ = 	snop  }
0x90: {  	(tm) =	ssettm $0x1  }
0x91: {  	s17 =	sld [smem:$0x3FFB];
	_ =	sdelay $0x3  }
0x92: {  	_ =	strace s17  }
0x93: {  	s2 =	sld [smem:$0x3FFC];
	_ =	sdelay $0x3  }
0x94: {  	_ =	strace s2  }
0x95: {  	s2 =	sld [smem:$0x3FFD];
	_ =	sdelay $0x3  }
0x96: {  	_ =	strace s2  }
0x97: {  	_ =	strace $0x8FFFFFFF  }
0x98: {  	s18 =	sld [smem:$0x3FDB];
	_ =	sdelay $0x1  }
0x99: {  	s19 =	simm.s32 $_scs_section_size  }
0x9a: {  	s4 =	simm.s32 $_size__tile_overlayer_lowered;
	s5 =	simm.s32 $_tile_overlayer_lowered  }
0x9b: {  	s22 =	simm.s32 $0x1BFF;
	s21 =	sshll.u32 s5, $0x1;
	s2 =	sadd.s32 s19, s18  }
0x9c: {  	s6 =	simm.s32 $0x0;
	s20 =	sshll.u32 s4, $0x1;
	s4 =	sadd.s32 s21, s2  }
0x9d: {  	[timem:s6], [sflag:s22] =	dma.local [hbm:s4], s20  }
0x9e: {  	_ =	swait.ge [sflag:s22], s20  }
0x9f: {  	s3 =	ssub.s32 $0x0, s20;
	[sflag:s22] =	ssyncset.done $0x0  }
0xa0: {  	[sflag:s22] =	ssyncadd.s32 s3;
	_ =	sdelay $0x1  }
0xa1: {  	s23 =	simm.s32 $0x1B8B  }
0xa2: {  	_ =	swait.ge [sflag:s23], $0x1  }
0xa3: {  	[sflag:s23] =	ssyncset.done $0x0  }
0xa4: {  	s25 =	simm.s32 $0x1B8E;
	s24 =	sld [smem:$0x3FFE];
	[sflag:s23] =	ssyncadd.s32 $0xFFFFFFFF  }
0xa5: {  	s26 =	simm.s32 $execute0_lowered;
	[smem:$0x3FD2] =	sst s25  }
0xa6: {  	s4 =	sshll.u32 s26, $0x1;
	_ =	strace $0x80000049;
	[dreg:$0x1] =	wrdreg $0xFFFFFFFF  }
0xa7: {  	s28 =	simm.s32 $_size_execute0_lowered;
	s2 =	sadd.s32 s2, s4;
	[dreg:$0x0] =	wrdreg $0x0  }
0xa8: {  	s4 =	sshll.u32 s28, $0x1;
	[dreg:$0x2] =	wrdreg s2  }
0xa9: {  	[dreg:$0x3] =	wrdreg s4  }
0xaa: {  	[dreg:$0x4] =	wrdreg $0xC0  }
0xab: {  	_ =	task [dreg:s6], $0x5FFFF  }
0xac: {  	[dreg:$0x1] =	wrdreg $0xFFFFFFFF  }
0xad: {  	[dreg:$0x0] =	wrdreg $0x60  }
0xae: {  	[dreg:$0x2] =	wrdreg s24  }
0xaf: {  	[dreg:$0x3] =	wrdreg $0xA8000  }
0xb0: {  	[dreg:$0x4] =	wrdreg $0x9  }
0xb1: {  	_ =	task.clear_ibuf [dreg:s6], $0x5FFFF;
	_ =	strace $0x90000049  }
0xb2: {  	s29 =	simm.s32 $0x9;
	_ =	strace $0x8000004B  }
0xb3: {  	_ =	swait.ge [sflag:s29], $0x1  }
0xb4: {  	[sflag:s29] =	ssyncadd.s32 $0xFFFFFFFF  }
0xb5: {  	_ =	strace $0x9000004B  }
0xb6: {  	_ =	sfence  }
0xb7: {  	s30 =	sld [smem:$0x0];
	_ =	sdelay $0x2  }
0xb8: {  	s31 =	sshll.u32 s1, $0xD;
	s1 =	sshrl.u32 s1, $0x2  }
0xb9: {  	s3 =	sand.u32 $0x4000, s31;
	s1 =	sadd.s32 s1, s30  }
0xba: {  	s0 =	sor.u32 s3, s0;
	s1 =	sshll.u32 s1, $0x11  }
0xbb: {  	s0 =	sor.u32 s1, s0  }
0xbc: {  	s0 =	sadd.s32 $0x8F2B, s0  }
0xbd: {  	[sflag:s0] =	ssyncadd.remote.s32 $0x1  }
0xbe: {  	_ =	sfence.sel $0xFFFF  }
0xbf: {  	[dreg:$0x0] =	wrdreg $0xFFFFFFFF;
	(pc) =	sbr.abs _section_cstart, $3  }
0xc0: {  	[dreg:$0x1] =	wrdreg $0xFFFFFFFF  }
0xc1: {  	_ =	task.clear_ibuf [dreg:s6], $0x2FFFF;
	_ =	strace $0x9FFFFFFF  }
0xc2: {  	(tm) =	ssettm $0x7FFFFFFF  }
0xc3: {  	_ =	shalt  }
tec
execute0_lowered:
.L_overlay_start_1:
0x0: {  	(tag) =	ssettag $0x1  }
0x1: {  	s5 =	rddreg [dreg:$0x0]  }
0x2: {  	s2 =	rddreg [dreg:$0x1]  }
0x3: {  	s0 =	rddreg [dreg:$0x2];
	s4 =	srdreg.scid  }
0x4: {  	s1 =	stileid.u32;
	s3 =	simm.s32 $0x0;
	s14 =	simm.s32 $0x50  }
0x5: {  	s15 =	simm.s32 $0x8000;
	s16 =	simm.s32 $0x1;
	s17 =	simm.s32 $0x0  }
0x6: {  	s6 =	sand.u32 $0x1, s4;
	s7 =	smul.u32 $0x14000, s1;
	[smem:$0x7FF] =	sst s3  }
0x7: {  	s10 =	sshll.u32 s1, $0xB;
	s4 =	sadd.s32 $0x2CE00, s5;
	s30 =	smul.u32 $0x50000, s1  }
0x8: {  	s12 =	sshll.u32 s1, $0x6;
	s8 =	smul.u32 $0x140000, s6;
	_ =	strace $0x8000004A  }
0x9: {  	s9 =	sshll.u32 s6, $0xF;
	s6 =	ssub.s32 $0x2, s6;
	s12 =	sor.u32 $0x1C02, s12  }
0xa: {  	s9 =	sor.u32 s10, s9;
	s31 =	sshrl.u32 s6, $0x1;
	s10 =	sshrl.u32 s30, $0x2  }
0xb: {  	s8 =	sadd.s32 s7, s8;
	s9 =	sadd.s32 s9, s5;
	s11 =	ssub.s32 s6, s31  }
0xc: {  	s13 =	sadd.s32 s10, s2;
	s7 =	sshrl.u32 s7, $0x3;
	s10 =	simm.s32 $0x2  }
0xd: {  	s8 =	sshrl.u32 s8, $0x3;
	s6 =	sadd.s32 $0x2E00, s9;
	s7 =	sadd.s32 s4, s7  }
0xe: {  	s13 =	sshrl.u32 s13, $0x3;
	s8 =	sadd.s32 s8, s5;
	s5 =	sadd.s32 $0x1CE00, s9  }
0xf: {  	s9 =	smax.u32 s11, $0x1;
	s11 =	simm.s32 $0x4000;
	s8 =	sadd.s32 $0x54E00, s8  }
.LBB2_1:
0x10: {  	[tilespmem:s3], [sflag:$0x2] =	stream.linear.gather [hbm4b:s5+s3], $0x3E80, $0x38;
	[tilespmem:$0x1E800] =	vst v63  }
0x11: {  	_ =	swait.ge [sflag:s10], $0x3E80  }
0x12: {  	[sflag:s10] =	ssyncset.done $0x0  }
0x13: {  	[sflag:s10] =	ssyncadd.s32 $0xFFFFC180  }
0x14: {  	[tilespmem:s11], [sflag:$0x2] =	stream.linear.gather [hbm4b:s6+s3], $0x3E80, $0x38;
	[tilespmem:$0x1E800] =	vst v63  }
0x15: {  	_ =	swait.ge [sflag:s10], $0x3E80  }
0x16: {  	[sflag:s10] =	ssyncset.done $0x0  }
0x17: {  	[sflag:s10] =	ssyncadd.s32 $0xFFFFC180  }
0x18: {  	[spmem:s13], [sflag:s12] =	dma.local [hbm:s7], $0x2800  }
0x19: {  	_ =	swait.ge [sflag:s10], $0x2800  }
0x1a: {  	[sflag:s10] =	ssyncset.done $0x0  }
0x1b: {  	[sflag:s10] =	ssyncadd.s32 $0xFFFFD800  }
0x1c: {  	s18 =	simm.s32 $0x0;
	[bflag:$0x0] =	sbarrier.arrive $0xFFFF  }
0x1d: {  	[tilespmem:s15], [sflag:$0x1] =	stream.indirect.gather [hbm4b:s4+s14], $0x80, s18, s14, $0xb8;
	[tilespmem:$0x1E800] =	vst v63  }
0x1e: {  	_ =	swait.ge [sflag:s16], $0x2800  }
0x1f: {  	[sflag:s16] =	ssyncset.done $0x0  }
0x20: {  	s31 =	simm.s32 $0x4000;
	[sflag:s16] =	ssyncadd.s32 $0xFFFFD800  }
0x21: {  	[spmem:s2] =	stream.indirect.scatter.add.f32 [tilespmem:s15], [sflag:$0x2], $0x80, s31, s14, $0xb8;
	[tilespmem:$0x1E800] =	vst v63  }
0x22: {  	_ =	swait.ge [sflag:s10], $0x2800  }
0x23: {  	s19 =	simm.s32 $0x400;
	s18 =	simm.s32 $0x200;
	[sflag:s10] =	ssyncset.done $0x0  }
.LBB2_2:
0x24: {  	s20 =	sshra.s32 s18, $0x2  }
0x25: {  	[sflag:s10] =	ssyncadd.s32 $0xFFFFD800;
	s18 =	smov.u32 s19;
	s21 =	sadd.s32 $0x200, s19  }
0x26: {  	[tilespmem:s15], [sflag:$0x1] =	stream.indirect.gather [hbm4b:s4+s14], $0x80, s20, s14, $0xb8;
	[tilespmem:$0x1E800] =	vst v63  }
0x27: {  	p0 =	sne.s32 s19, $0xF800;
	_ =	swait.ge [sflag:s16], $0x2800  }
.Ltmp0:
0x28: {  	[sflag:s16] =	ssyncset.done $0x0;
	(pc) =	sbr.rel @p0 .LBB2_2-.Ltmp0, $4  }
0x29: {  	s19 =	sadd.s32 $0x4000, s20;
	[sflag:s16] =	ssyncadd.s32 $0xFFFFD800  }
0x2a: {  	[spmem:s2] =	stream.indirect.scatter.add.f32 [tilespmem:s15], [sflag:$0x2], $0x80, s19, s14, $0xb8;
	[tilespmem:$0x1E800] =	vst v63  }
0x2b: {  	_ =	swait.ge [sflag:s10], $0x2800  }
0x2c: {  	s19 =	smov.u32 s21;
	[sflag:s10] =	ssyncset.done $0x0  }
0x2d: {  	s18 =	sshra.s32 s18, $0x2;
	[sflag:s10] =	ssyncadd.s32 $0xFFFFD800  }
0x2e: {  	[tilespmem:s15], [sflag:$0x1] =	stream.indirect.gather [hbm4b:s4+s14], $0x80, s18, s14, $0xb8;
	[tilespmem:$0x1E800] =	vst v63  }
0x2f: {  	_ =	swait.ge [sflag:s16], $0x2800  }
0x30: {  	[sflag:s16] =	ssyncset.done $0x0  }
0x31: {  	s18 =	sadd.s32 $0x4000, s18;
	[sflag:s16] =	ssyncadd.s32 $0xFFFFD800  }
0x32: {  	[spmem:s2] =	stream.indirect.scatter.add.f32 [tilespmem:s15], [sflag:$0x2], $0x80, s18, s14, $0xb8;
	[tilespmem:$0x1E800] =	vst v63  }
0x33: {  	_ =	swait.ge [sflag:s10], $0x2800  }
0x34: {  	s17 =	sadd.s32 $0x1, s17;
	[sflag:s10] =	ssyncset.done $0x0  }
0x35: {  	p0 =	sne.s32 s17, s9;
	[sflag:s10] =	ssyncadd.s32 $0xFFFFD800  }
.Ltmp1:
0x36: {  	[bflag:$0x0] =	sbarrier.arrive $0xFFFF;
	(pc) =	sbr.rel @p0 .LBB2_1-.Ltmp1, $4  }
0x37: {  	[hbm:s8], [sflag:s12] =	dma.local [spmem:s13], $0x2800  }
0x38: {  	_ =	swait.ge [sflag:s10], $0x2800  }
0x39: {  	[sflag:s10] =	ssyncset.done $0x0  }
0x3a: {  	[sflag:s10] =	ssyncadd.s32 $0xFFFFD800  }
0x3b: {  	_ =	sfence.sel $0x180000  }
0x3c: {  	[bflag:$0x0] =	sbarrier.arrive $0xFFFF  }
0x3d: {  	p0 =	sne.s32 s1, $0x0;
	_ =	strace $0x9000004A  }
0x3e: {  	s0 =	sadd.s32 @!p0 $0x100000, s0;
	[bflag:$0x2] =	sbarrier.arrive $0xFFFF  }
0x3f: {  	[sflag:s0] =	ssyncadd.tile.s32 @!p0 $0x1;
	_ =	shalt  }
.Lfunc_end2:
_tile_overlayer_lowered:
.L_overlay_start_2:
0x40: {  	(tag) =	ssettag $0x2  }
0x41: {  	s0 =	rddreg [dreg:$0x0];
	s2 =	stileid.u32  }
0x42: {  	s1 =	rddreg [dreg:$0x1];
	p0 =	sne.s32 s2, $0x0  }
0x43: {  	s3 =	rddreg [dreg:$0x2];
	[bflag:$0x3] =	sbarrier.arrive $0xFFFF;
	s2 =	simm.s32 @!p0 $0x1C02  }
0x44: {  	[timem:s3], [sflag:s2] =	dma.local @!p0 [hbm:s0], s1  }
0x45: {  	s0 =	simm.s32 @!p0 $0x2  }
0x46: {  	_ =	swait.ge @!p0 [sflag:s0], s1  }
0x47: {  	s1 =	ssub.s32 @!p0 $0x0, s1;
	[sflag:s0] =	ssyncset.done @!p0 $0x0  }
0x48: {  	[sflag:s0] =	ssyncadd.s32 @!p0 s1  }
0x49: {  	[bflag:$0x3] =	sbarrier.arrive $0xFFFF  }
0x4a: {  	_ =	shalt  }

// kernel: kernel.14.cloned.1.call-start
scs
__scs_entry_jumppad:
0x0: {  	(pc) =	sbr.rel $0x88, $3  }
0x1: {  	(tag) =	ssettag $0x0;
	lr =	simm.s32 $0x1  }
0x2: {  	[smem:$0x3F96] =	sst lr;
	_ =	strace $0xD0000000  }
0x3: {  	_ = 	snop  }
0x4: {  	_ = 	snop  }
0x5: {  	_ = 	snop  }
0x6: {  	_ = 	snop  }
0x7: {  	_ = 	snop  }
__scs_overlays_trampoline_lowered:
0x8: {  	[smem:$0x3FA5] =	sst s0  }
0x9: {  	[smem:$0x3FA6] =	sst s1  }
0xa: {  	[smem:$0x3FA7] =	sst s2  }
0xb: {  	[smem:$0x3FA8] =	sst s3  }
0xc: {  	[smem:$0x3FA9] =	sst s4  }
0xd: {  	[smem:$0x3FAA] =	sst s5  }
0xe: {  	[smem:$0x3FAB] =	sst s6  }
0xf: {  	[smem:$0x3FAC] =	sst s7  }
0x10: {  	[smem:$0x3FAD] =	sst s8  }
0x11: {  	[smem:$0x3FAE] =	sst s9;
	s0 =	simm.s32 @!p0 $0x0  }
0x12: {  	s1 =	sld [smem:$0x3F94];
	s0 =	simm.s32 @p0 $0x1  }
0x13: {  	[smem:$0x3FAF] =	sst s0;
	s0 =	simm.s32 @!p1 $0x0  }
0x14: {  	s2 =	sld [smem:$0x3F93];
	s0 =	simm.s32 @p1 $0x1  }
0x15: {  	[smem:$0x3FB0] =	sst s0;
	s0 =	simm.s32 @!p2 $0x0  }
0x16: {  	s3 =	sld [smem:$0x3FDB];
	s0 =	simm.s32 @p2 $0x1  }
0x17: {  	s4 =	simm.s32 $0x1BF5;
	[smem:$0x3FB2] =	sst s0  }
0x18: {  	s0 =	sld [smem:$0x3F95];
	_ =	swait.ge [sflag:s4], $0x0  }
0x19: {  	s7 =	sld [smem:$0x3F96]  }
0x1a: {  	s8 =	sadd.s32 $0xFFFFE003, lr  }
0x1b: {  	s9 =	sadd.s32 $0xFFFFFEF7, lr;
	s5 =	simm.s32 $0xFFFFFFFF;
	p2 =	slt.u32 s8, $0xFFFFF086  }
0x1c: {  	p1 =	slt.u32 s9, $0xF7A;
	s5 =	simm.s32 @!p2 $0x0  }
0x1d: {  	s5 =	simm.s32 @p1 $0x1;
	p0 =	seq.s32 s7, s2  }
0x1e: {  	s7 =	smul.u32 @!p0 $0xF7A, s2;
	p2 =	seq.s32 @!p0 s5, $0x0  }
0x1f: {  	s9 =	smul.u32 $0xF7A, s1;
	s8 =	simm.s32 @!p0 $0x1BF5;
	p2 =	por !p2, p0  }
0x20: {  	[sflag:s8] =	ssyncset.s32 @!p0 $0xFFFFF086;
	s6 =	sadd.s32 @!p0 s3, s7;
	s7 =	simm.s32 @!p0 $0x108  }
0x21: {  	s3 =	sadd.s32 s3, s9;
	s6 =	sadd.s32 @!p0 $0x88, s6;
	s7 =	simm.s32 @p2 $0x1082  }
0x22: {  	[simem:s7], [sflag:s8] =	dma.local @!p0 [hbm:s6], $0xF7A  }
0x23: {  	s9 =	sor.u32 $0xD0000000, s2;
	s6 =	simm.s32 $0x108;
	_ =	swait.ge @!p0 [sflag:s8], $0x0  }
0x24: {  	s3 =	sadd.s32 $0x88, s3;
	s6 =	simm.s32 @!p1 $0x1082;
	[sflag:s4] =	ssyncset.s32 $0xFFFFF086  }
0x25: {  	[simem:s6], [sflag:s4] =	dma.local [hbm:s3], $0xF7A  }
0x26: {  	[smem:$0x3F96] =	sst s1;
	(tag) =	ssettag s2;
	_ =	strace s9  }
0x27: {  	s1 =	sld [smem:$0x3FA6]  }
0x28: {  	s2 =	sld [smem:$0x3FA7]  }
0x29: {  	s4 =	sld [smem:$0x3FA9]  }
0x2a: {  	p0 =	seq.s32 s5, $0x0;
	s5 =	sld [smem:$0x3FAA]  }
0x2b: {  	s6 =	sld [smem:$0x3FAB]  }
0x2c: {  	s7 =	sld [smem:$0x3FAC]  }
0x2d: {  	s3 =	simm.s32 $0x108;
	s8 =	sld [smem:$0x3FAD]  }
0x2e: {  	s3 =	simm.s32 @!p0 $0x1082;
	s9 =	sld [smem:$0x3FAE]  }
0x2f: {  	lr =	sadd.s32 s0, s3;
	s0 =	sld [smem:$0x3FA5]  }
0x30: {  	s3 =	sld [smem:$0x3FA8]  }
0x31: {  	[smem:$0x3FB1] =	sst s10  }
0x32: {  	s10 =	sld [smem:$0x3FAF];
	_ =	sdelay $0x3  }
0x33: {  	p0 =	seq.s32 s10, $0x1;
	s10 =	sld [smem:$0x3FB1];
	_ =	sdelay $0x3  }
0x34: {  	[smem:$0x3FB1] =	sst s10  }
0x35: {  	s10 =	sld [smem:$0x3FB0];
	_ =	sdelay $0x3  }
0x36: {  	p1 =	seq.s32 s10, $0x1;
	s10 =	sld [smem:$0x3FB1];
	_ =	sdelay $0x3  }
0x37: {  	[smem:$0x3FB1] =	sst s10  }
0x38: {  	s10 =	sld [smem:$0x3FB2]  }
0x39: {  	_ = 	snop;
	(pc) =	sbr.ind lr, $3  }
0x3a: {  	_ = 	snop  }
0x3b: {  	_ = 	snop  }
0x3c: {  	p2 =	seq.s32 s10, $0x1;
	s10 =	sld [smem:$0x3FB1]  }
0x3d: {  	_ =	shalt  }
0x3e: {  	_ =	shalt  }
0x3f: {  	_ =	shalt  }
0x40: {  	_ =	shalt  }
0x41: {  	_ =	shalt  }
0x42: {  	_ =	shalt  }
0x43: {  	_ =	shalt  }
0x44: {  	_ =	shalt  }
0x45: {  	_ =	shalt  }
0x46: {  	_ =	shalt  }
0x47: {  	_ =	shalt  }
0x48: {  	_ =	shalt  }
0x49: {  	_ =	shalt  }
0x4a: {  	_ =	shalt  }
0x4b: {  	_ =	shalt  }
0x4c: {  	_ =	shalt  }
0x4d: {  	_ =	shalt  }
0x4e: {  	_ =	shalt  }
0x4f: {  	_ =	shalt  }
0x50: {  	_ =	shalt  }
0x51: {  	_ =	shalt  }
0x52: {  	_ =	shalt  }
0x53: {  	_ =	shalt  }
0x54: {  	_ =	shalt  }
0x55: {  	_ =	shalt  }
0x56: {  	_ =	shalt  }
0x57: {  	_ =	shalt  }
0x58: {  	_ =	shalt  }
0x59: {  	_ =	shalt  }
0x5a: {  	_ =	shalt  }
0x5b: {  	_ =	shalt  }
0x5c: {  	_ =	shalt  }
0x5d: {  	_ =	shalt  }
0x5e: {  	_ =	shalt  }
0x5f: {  	_ =	shalt  }
0x60: {  	_ =	shalt  }
0x61: {  	_ =	shalt  }
0x62: {  	_ =	shalt  }
0x63: {  	_ =	shalt  }
0x64: {  	_ =	shalt  }
0x65: {  	_ =	shalt  }
0x66: {  	_ =	shalt  }
0x67: {  	_ =	shalt  }
0x68: {  	_ =	shalt  }
0x69: {  	_ =	shalt  }
0x6a: {  	_ =	shalt  }
0x6b: {  	_ =	shalt  }
0x6c: {  	_ =	shalt  }
0x6d: {  	_ =	shalt  }
0x6e: {  	_ =	shalt  }
0x6f: {  	_ =	shalt  }
0x70: {  	_ =	shalt  }
0x71: {  	_ =	shalt  }
0x72: {  	_ =	shalt  }
0x73: {  	_ =	shalt  }
0x74: {  	_ =	shalt  }
0x75: {  	_ =	shalt  }
0x76: {  	_ =	shalt  }
0x77: {  	_ =	shalt  }
0x78: {  	_ =	shalt  }
0x79: {  	_ =	shalt  }
0x7a: {  	_ =	shalt  }
0x7b: {  	_ =	shalt  }
0x7c: {  	_ =	shalt  }
0x7d: {  	_ =	shalt  }
0x7e: {  	_ =	shalt  }
0x7f: {  	_ =	shalt  }
0x80: {  	_ =	shalt  }
0x81: {  	_ =	shalt  }
0x82: {  	_ =	shalt  }
0x83: {  	_ =	shalt  }
0x84: {  	_ =	shalt  }
0x85: {  	_ =	shalt  }
0x86: {  	_ =	shalt  }
0x87: {  	_ =	shalt  }
.Lfunc_end0:
.L_simem_size_0:
called_computation.2_lowered:
.L_overlay_start_0:
0x88: {  	s2 =	sld [smem:$0x3FD9]  }
0x89: {  	s3 =	sld [smem:$0x3FFE];
	_ =	sdelay $0x1  }
0x8a: {  	s1 =	srdreg.scid  }
0x8b: {  	s0 =	sand.u32 $0x1, s1  }
0x8c: {  	s16 =	sshll.u32 s0, $0xA;
	s2 =	sadd.s32 s3, s2  }
0x8d: {  	s2 =	sadd.s32 s2, s16  }
0x8e: {  	[smem:$0x3FBD] =	sst s2  }
0x8f: {  	_ = 	snop  }
0x90: {  	(tm) =	ssettm $0x1  }
0x91: {  	s17 =	sld [smem:$0x3FFB];
	_ =	sdelay $0x3  }
0x92: {  	_ =	strace s17  }
0x93: {  	s2 =	sld [smem:$0x3FFC];
	_ =	sdelay $0x3  }
0x94: {  	_ =	strace s2  }
0x95: {  	s2 =	sld [smem:$0x3FFD];
	_ =	sdelay $0x3  }
0x96: {  	_ =	strace s2  }
0x97: {  	_ =	strace $0x8FFFFFFF  }
0x98: {  	s18 =	sld [smem:$0x3FDB];
	_ =	sdelay $0x1  }
0x99: {  	s19 =	simm.s32 $_scs_section_size  }
0x9a: {  	s4 =	simm.s32 $_size__tile_overlayer_lowered;
	s5 =	simm.s32 $_tile_overlayer_lowered  }
0x9b: {  	s22 =	simm.s32 $0x1BFF;
	s21 =	sshll.u32 s5, $0x1;
	s2 =	sadd.s32 s19, s18  }
0x9c: {  	s6 =	simm.s32 $0x0;
	s20 =	sshll.u32 s4, $0x1;
	s4 =	sadd.s32 s21, s2  }
0x9d: {  	[timem:s6], [sflag:s22] =	dma.local [hbm:s4], s20  }
0x9e: {  	_ =	swait.ge [sflag:s22], s20  }
0x9f: {  	s3 =	ssub.s32 $0x0, s20;
	[sflag:s22] =	ssyncset.done $0x0  }
0xa0: {  	[sflag:s22] =	ssyncadd.s32 s3;
	_ =	sdelay $0x1  }
0xa1: {  	s23 =	simm.s32 $0x1B8B  }
0xa2: {  	_ =	swait.ge [sflag:s23], $0x1  }
0xa3: {  	[sflag:s23] =	ssyncset.done $0x0  }
0xa4: {  	s25 =	simm.s32 $0x1B8E;
	s24 =	sld [smem:$0x3FFE];
	[sflag:s23] =	ssyncadd.s32 $0xFFFFFFFF  }
0xa5: {  	s26 =	simm.s32 $execute0_lowered;
	[smem:$0x3FD2] =	sst s25  }
0xa6: {  	s4 =	sshll.u32 s26, $0x1;
	_ =	strace $0x8000004C;
	[dreg:$0x1] =	wrdreg $0xFFFFFFFF  }
0xa7: {  	s28 =	simm.s32 $_size_execute0_lowered;
	s2 =	sadd.s32 s2, s4;
	[dreg:$0x0] =	wrdreg $0x0  }
0xa8: {  	s4 =	sshll.u32 s28, $0x1;
	[dreg:$0x2] =	wrdreg s2  }
0xa9: {  	[dreg:$0x3] =	wrdreg s4  }
0xaa: {  	[dreg:$0x4] =	wrdreg $0xC0  }
0xab: {  	_ =	task [dreg:s6], $0x5FFFF  }
0xac: {  	[dreg:$0x1] =	wrdreg $0xFFFFFFFF  }
0xad: {  	[dreg:$0x0] =	wrdreg $0x60  }
0xae: {  	[dreg:$0x2] =	wrdreg s24  }
0xaf: {  	[dreg:$0x3] =	wrdreg $0xA8000  }
0xb0: {  	[dreg:$0x4] =	wrdreg $0x9  }
0xb1: {  	_ =	task.clear_ibuf [dreg:s6], $0x5FFFF;
	_ =	strace $0x9000004C  }
0xb2: {  	s29 =	simm.s32 $0x9;
	_ =	strace $0x8000004E  }
0xb3: {  	_ =	swait.ge [sflag:s29], $0x1  }
0xb4: {  	[sflag:s29] =	ssyncadd.s32 $0xFFFFFFFF  }
0xb5: {  	_ =	strace $0x9000004E  }
0xb6: {  	_ =	sfence  }
0xb7: {  	s30 =	sld [smem:$0x0];
	_ =	sdelay $0x2  }
0xb8: {  	s31 =	sshll.u32 s1, $0xD;
	s1 =	sshrl.u32 s1, $0x2  }
0xb9: {  	s3 =	sand.u32 $0x4000, s31;
	s1 =	sadd.s32 s1, s30  }
0xba: {  	s0 =	sor.u32 s3, s0;
	s1 =	sshll.u32 s1, $0x11  }
0xbb: {  	s0 =	sor.u32 s1, s0  }
0xbc: {  	s0 =	sadd.s32 $0x8F2B, s0  }
0xbd: {  	[sflag:s0] =	ssyncadd.remote.s32 $0x1  }
0xbe: {  	_ =	sfence.sel $0xFFFF  }
0xbf: {  	[dreg:$0x0] =	wrdreg $0xFFFFFFFF;
	(pc) =	sbr.abs _section_cstart, $3  }
0xc0: {  	[dreg:$0x1] =	wrdreg $0xFFFFFFFF  }
0xc1: {  	_ =	task.clear_ibuf [dreg:s6], $0x2FFFF;
	_ =	strace $0x9FFFFFFF  }
0xc2: {  	(tm) =	ssettm $0x7FFFFFFF  }
0xc3: {  	_ =	shalt  }
tec
execute0_lowered:
.L_overlay_start_1:
0x0: {  	(tag) =	ssettag $0x1  }
0x1: {  	s5 =	rddreg [dreg:$0x0]  }
0x2: {  	s2 =	rddreg [dreg:$0x1]  }
0x3: {  	s0 =	rddreg [dreg:$0x2];
	s4 =	srdreg.scid  }
0x4: {  	s1 =	stileid.u32;
	s3 =	simm.s32 $0x0;
	s14 =	simm.s32 $0x50  }
0x5: {  	s15 =	simm.s32 $0x8000;
	s16 =	simm.s32 $0x1;
	s17 =	simm.s32 $0x0  }
0x6: {  	s6 =	sand.u32 $0x1, s4;
	s7 =	smul.u32 $0x14000, s1;
	[smem:$0x7FF] =	sst s3  }
0x7: {  	s10 =	sshll.u32 s1, $0xB;
	s4 =	sadd.s32 $0x2CE00, s5;
	s30 =	smul.u32 $0x50000, s1  }
0x8: {  	s12 =	sshll.u32 s1, $0x6;
	s8 =	smul.u32 $0x140000, s6;
	_ =	strace $0x8000004D  }
0x9: {  	s9 =	sshll.u32 s6, $0xF;
	s6 =	ssub.s32 $0x2, s6;
	s12 =	sor.u32 $0x1C02, s12  }
0xa: {  	s9 =	sor.u32 s10, s9;
	s31 =	sshrl.u32 s6, $0x1;
	s10 =	sshrl.u32 s30, $0x2  }
0xb: {  	s8 =	sadd.s32 s7, s8;
	s9 =	sadd.s32 s9, s5;
	s11 =	ssub.s32 s6, s31  }
0xc: {  	s13 =	sadd.s32 s10, s2;
	s7 =	sshrl.u32 s7, $0x3;
	s10 =	simm.s32 $0x2  }
0xd: {  	s8 =	sshrl.u32 s8, $0x3;
	s6 =	sadd.s32 $0x2E00, s9;
	s7 =	sadd.s32 s4, s7  }
0xe: {  	s13 =	sshrl.u32 s13, $0x3;
	s8 =	sadd.s32 s8, s5;
	s5 =	sadd.s32 $0x1CE00, s9  }
0xf: {  	s9 =	smax.u32 s11, $0x1;
	s11 =	simm.s32 $0x4000;
	s8 =	sadd.s32 $0x54E00, s8  }
.LBB2_1:
0x10: {  	[tilespmem:s3], [sflag:$0x2] =	stream.linear.gather [hbm4b:s5+s3], $0x3E80, $0x38;
	[tilespmem:$0x1E800] =	vst v63  }
0x11: {  	_ =	swait.ge [sflag:s10], $0x3E80  }
0x12: {  	[sflag:s10] =	ssyncset.done $0x0  }
0x13: {  	[sflag:s10] =	ssyncadd.s32 $0xFFFFC180  }
0x14: {  	[tilespmem:s11], [sflag:$0x2] =	stream.linear.gather [hbm4b:s6+s3], $0x3E80, $0x38;
	[tilespmem:$0x1E800] =	vst v63  }
0x15: {  	_ =	swait.ge [sflag:s10], $0x3E80  }
0x16: {  	[sflag:s10] =	ssyncset.done $0x0  }
0x17: {  	[sflag:s10] =	ssyncadd.s32 $0xFFFFC180  }
0x18: {  	[spmem:s13], [sflag:s12] =	dma.local [hbm:s7], $0x2800  }
0x19: {  	_ =	swait.ge [sflag:s10], $0x2800  }
0x1a: {  	[sflag:s10] =	ssyncset.done $0x0  }
0x1b: {  	[sflag:s10] =	ssyncadd.s32 $0xFFFFD800  }
0x1c: {  	s18 =	simm.s32 $0x0;
	[bflag:$0x0] =	sbarrier.arrive $0xFFFF  }
0x1d: {  	[tilespmem:s15], [sflag:$0x1] =	stream.indirect.gather [hbm4b:s4+s14], $0x80, s18, s14, $0xb8;
	[tilespmem:$0x1E800] =	vst v63  }
0x1e: {  	_ =	swait.ge [sflag:s16], $0x2800  }
0x1f: {  	[sflag:s16] =	ssyncset.done $0x0  }
0x20: {  	s31 =	simm.s32 $0x4000;
	[sflag:s16] =	ssyncadd.s32 $0xFFFFD800  }
0x21: {  	[spmem:s2] =	stream.indirect.scatter.add.f32 [tilespmem:s15], [sflag:$0x2], $0x80, s31, s14, $0xb8;
	[tilespmem:$0x1E800] =	vst v63  }
0x22: {  	_ =	swait.ge [sflag:s10], $0x2800  }
0x23: {  	s19 =	simm.s32 $0x400;
	s18 =	simm.s32 $0x200;
	[sflag:s10] =	ssyncset.done $0x0  }
.LBB2_2:
0x24: {  	s20 =	sshra.s32 s18, $0x2  }
0x25: {  	[sflag:s10] =	ssyncadd.s32 $0xFFFFD800;
	s18 =	smov.u32 s19;
	s21 =	sadd.s32 $0x200, s19  }
0x26: {  	[tilespmem:s15], [sflag:$0x1] =	stream.indirect.gather [hbm4b:s4+s14], $0x80, s20, s14, $0xb8;
	[tilespmem:$0x1E800] =	vst v63  }
0x27: {  	p0 =	sne.s32 s19, $0xF800;
	_ =	swait.ge [sflag:s16], $0x2800  }
.Ltmp0:
0x28: {  	[sflag:s16] =	ssyncset.done $0x0;
	(pc) =	sbr.rel @p0 .LBB2_2-.Ltmp0, $4  }
0x29: {  	s19 =	sadd.s32 $0x4000, s20;
	[sflag:s16] =	ssyncadd.s32 $0xFFFFD800  }
0x2a: {  	[spmem:s2] =	stream.indirect.scatter.add.f32 [tilespmem:s15], [sflag:$0x2], $0x80, s19, s14, $0xb8;
	[tilespmem:$0x1E800] =	vst v63  }
0x2b: {  	_ =	swait.ge [sflag:s10], $0x2800  }
0x2c: {  	s19 =	smov.u32 s21;
	[sflag:s10] =	ssyncset.done $0x0  }
0x2d: {  	s18 =	sshra.s32 s18, $0x2;
	[sflag:s10] =	ssyncadd.s32 $0xFFFFD800  }
0x2e: {  	[tilespmem:s15], [sflag:$0x1] =	stream.indirect.gather [hbm4b:s4+s14], $0x80, s18, s14, $0xb8;
	[tilespmem:$0x1E800] =	vst v63  }
0x2f: {  	_ =	swait.ge [sflag:s16], $0x2800  }
0x30: {  	[sflag:s16] =	ssyncset.done $0x0  }
0x31: {  	s18 =	sadd.s32 $0x4000, s18;
	[sflag:s16] =	ssyncadd.s32 $0xFFFFD800  }
0x32: {  	[spmem:s2] =	stream.indirect.scatter.add.f32 [tilespmem:s15], [sflag:$0x2], $0x80, s18, s14, $0xb8;
	[tilespmem:$0x1E800] =	vst v63  }
0x33: {  	_ =	swait.ge [sflag:s10], $0x2800  }
0x34: {  	s17 =	sadd.s32 $0x1, s17;
	[sflag:s10] =	ssyncset.done $0x0  }
0x35: {  	p0 =	sne.s32 s17, s9;
	[sflag:s10] =	ssyncadd.s32 $0xFFFFD800  }
.Ltmp1:
0x36: {  	[bflag:$0x0] =	sbarrier.arrive $0xFFFF;
	(pc) =	sbr.rel @p0 .LBB2_1-.Ltmp1, $4  }
0x37: {  	[hbm:s8], [sflag:s12] =	dma.local [spmem:s13], $0x2800  }
0x38: {  	_ =	swait.ge [sflag:s10], $0x2800  }
0x39: {  	[sflag:s10] =	ssyncset.done $0x0  }
0x3a: {  	[sflag:s10] =	ssyncadd.s32 $0xFFFFD800  }
0x3b: {  	_ =	sfence.sel $0x180000  }
0x3c: {  	[bflag:$0x0] =	sbarrier.arrive $0xFFFF  }
0x3d: {  	p0 =	sne.s32 s1, $0x0;
	_ =	strace $0x9000004D  }
0x3e: {  	s0 =	sadd.s32 @!p0 $0x100000, s0;
	[bflag:$0x2] =	sbarrier.arrive $0xFFFF  }
0x3f: {  	[sflag:s0] =	ssyncadd.tile.s32 @!p0 $0x1;
	_ =	shalt  }
.Lfunc_end2:
_tile_overlayer_lowered:
.L_overlay_start_2:
0x40: {  	(tag) =	ssettag $0x2  }
0x41: {  	s0 =	rddreg [dreg:$0x0];
	s2 =	stileid.u32  }
0x42: {  	s1 =	rddreg [dreg:$0x1];
	p0 =	sne.s32 s2, $0x0  }
0x43: {  	s3 =	rddreg [dreg:$0x2];
	[bflag:$0x3] =	sbarrier.arrive $0xFFFF;
	s2 =	simm.s32 @!p0 $0x1C02  }
0x44: {  	[timem:s3], [sflag:s2] =	dma.local @!p0 [hbm:s0], s1  }
0x45: {  	s0 =	simm.s32 @!p0 $0x2  }
0x46: {  	_ =	swait.ge @!p0 [sflag:s0], s1  }
0x47: {  	s1 =	ssub.s32 @!p0 $0x0, s1;
	[sflag:s0] =	ssyncset.done @!p0 $0x0  }
0x48: {  	[sflag:s0] =	ssyncadd.s32 @!p0 s1  }
0x49: {  	[bflag:$0x3] =	sbarrier.arrive $0xFFFF  }
0x4a: {  	_ =	shalt  }

// kernel: kernel.8.cloned.1.call-start
scs
__scs_entry_jumppad:
0x0: {  	(pc) =	sbr.rel $0x88, $3  }
0x1: {  	(tag) =	ssettag $0x0;
	lr =	simm.s32 $0x1  }
0x2: {  	[smem:$0x3F96] =	sst lr;
	_ =	strace $0xD0000000  }
0x3: {  	_ = 	snop  }
0x4: {  	_ = 	snop  }
0x5: {  	_ = 	snop  }
0x6: {  	_ = 	snop  }
0x7: {  	_ = 	snop  }
__scs_overlays_trampoline_lowered:
0x8: {  	[smem:$0x3FA5] =	sst s0  }
0x9: {  	[smem:$0x3FA6] =	sst s1  }
0xa: {  	[smem:$0x3FA7] =	sst s2  }
0xb: {  	[smem:$0x3FA8] =	sst s3  }
0xc: {  	[smem:$0x3FA9] =	sst s4  }
0xd: {  	[smem:$0x3FAA] =	sst s5  }
0xe: {  	[smem:$0x3FAB] =	sst s6  }
0xf: {  	[smem:$0x3FAC] =	sst s7  }
0x10: {  	[smem:$0x3FAD] =	sst s8  }
0x11: {  	[smem:$0x3FAE] =	sst s9;
	s0 =	simm.s32 @!p0 $0x0  }
0x12: {  	s1 =	sld [smem:$0x3F94];
	s0 =	simm.s32 @p0 $0x1  }
0x13: {  	[smem:$0x3FAF] =	sst s0;
	s0 =	simm.s32 @!p1 $0x0  }
0x14: {  	s2 =	sld [smem:$0x3F93];
	s0 =	simm.s32 @p1 $0x1  }
0x15: {  	[smem:$0x3FB0] =	sst s0;
	s0 =	simm.s32 @!p2 $0x0  }
0x16: {  	s3 =	sld [smem:$0x3FDB];
	s0 =	simm.s32 @p2 $0x1  }
0x17: {  	s4 =	simm.s32 $0x1BF5;
	[smem:$0x3FB2] =	sst s0  }
0x18: {  	s0 =	sld [smem:$0x3F95];
	_ =	swait.ge [sflag:s4], $0x0  }
0x19: {  	s7 =	sld [smem:$0x3F96]  }
0x1a: {  	s8 =	sadd.s32 $0xFFFFE003, lr  }
0x1b: {  	s9 =	sadd.s32 $0xFFFFFEF7, lr;
	s5 =	simm.s32 $0xFFFFFFFF;
	p2 =	slt.u32 s8, $0xFFFFF086  }
0x1c: {  	p1 =	slt.u32 s9, $0xF7A;
	s5 =	simm.s32 @!p2 $0x0  }
0x1d: {  	s5 =	simm.s32 @p1 $0x1;
	p0 =	seq.s32 s7, s2  }
0x1e: {  	s7 =	smul.u32 @!p0 $0xF7A, s2;
	p2 =	seq.s32 @!p0 s5, $0x0  }
0x1f: {  	s9 =	smul.u32 $0xF7A, s1;
	s8 =	simm.s32 @!p0 $0x1BF5;
	p2 =	por !p2, p0  }
0x20: {  	[sflag:s8] =	ssyncset.s32 @!p0 $0xFFFFF086;
	s6 =	sadd.s32 @!p0 s3, s7;
	s7 =	simm.s32 @!p0 $0x108  }
0x21: {  	s3 =	sadd.s32 s3, s9;
	s6 =	sadd.s32 @!p0 $0x88, s6;
	s7 =	simm.s32 @p2 $0x1082  }
0x22: {  	[simem:s7], [sflag:s8] =	dma.local @!p0 [hbm:s6], $0xF7A  }
0x23: {  	s9 =	sor.u32 $0xD0000000, s2;
	s6 =	simm.s32 $0x108;
	_ =	swait.ge @!p0 [sflag:s8], $0x0  }
0x24: {  	s3 =	sadd.s32 $0x88, s3;
	s6 =	simm.s32 @!p1 $0x1082;
	[sflag:s4] =	ssyncset.s32 $0xFFFFF086  }
0x25: {  	[simem:s6], [sflag:s4] =	dma.local [hbm:s3], $0xF7A  }
0x26: {  	[smem:$0x3F96] =	sst s1;
	(tag) =	ssettag s2;
	_ =	strace s9  }
0x27: {  	s1 =	sld [smem:$0x3FA6]  }
0x28: {  	s2 =	sld [smem:$0x3FA7]  }
0x29: {  	s4 =	sld [smem:$0x3FA9]  }
0x2a: {  	p0 =	seq.s32 s5, $0x0;
	s5 =	sld [smem:$0x3FAA]  }
0x2b: {  	s6 =	sld [smem:$0x3FAB]  }
0x2c: {  	s7 =	sld [smem:$0x3FAC]  }
0x2d: {  	s3 =	simm.s32 $0x108;
	s8 =	sld [smem:$0x3FAD]  }
0x2e: {  	s3 =	simm.s32 @!p0 $0x1082;
	s9 =	sld [smem:$0x3FAE]  }
0x2f: {  	lr =	sadd.s32 s0, s3;
	s0 =	sld [smem:$0x3FA5]  }
0x30: {  	s3 =	sld [smem:$0x3FA8]  }
0x31: {  	[smem:$0x3FB1] =	sst s10  }
0x32: {  	s10 =	sld [smem:$0x3FAF];
	_ =	sdelay $0x3  }
0x33: {  	p0 =	seq.s32 s10, $0x1;
	s10 =	sld [smem:$0x3FB1];
	_ =	sdelay $0x3  }
0x34: {  	[smem:$0x3FB1] =	sst s10  }
0x35: {  	s10 =	sld [smem:$0x3FB0];
	_ =	sdelay $0x3  }
0x36: {  	p1 =	seq.s32 s10, $0x1;
	s10 =	sld [smem:$0x3FB1];
	_ =	sdelay $0x3  }
0x37: {  	[smem:$0x3FB1] =	sst s10  }
0x38: {  	s10 =	sld [smem:$0x3FB2]  }
0x39: {  	_ = 	snop;
	(pc) =	sbr.ind lr, $3  }
0x3a: {  	_ = 	snop  }
0x3b: {  	_ = 	snop  }
0x3c: {  	p2 =	seq.s32 s10, $0x1;
	s10 =	sld [smem:$0x3FB1]  }
0x3d: {  	_ =	shalt  }
0x3e: {  	_ =	shalt  }
0x3f: {  	_ =	shalt  }
0x40: {  	_ =	shalt  }
0x41: {  	_ =	shalt  }
0x42: {  	_ =	shalt  }
0x43: {  	_ =	shalt  }
0x44: {  	_ =	shalt  }
0x45: {  	_ =	shalt  }
0x46: {  	_ =	shalt  }
0x47: {  	_ =	shalt  }
0x48: {  	_ =	shalt  }
0x49: {  	_ =	shalt  }
0x4a: {  	_ =	shalt  }
0x4b: {  	_ =	shalt  }
0x4c: {  	_ =	shalt  }
0x4d: {  	_ =	shalt  }
0x4e: {  	_ =	shalt  }
0x4f: {  	_ =	shalt  }
0x50: {  	_ =	shalt  }
0x51: {  	_ =	shalt  }
0x52: {  	_ =	shalt  }
0x53: {  	_ =	shalt  }
0x54: {  	_ =	shalt  }
0x55: {  	_ =	shalt  }
0x56: {  	_ =	shalt  }
0x57: {  	_ =	shalt  }
0x58: {  	_ =	shalt  }
0x59: {  	_ =	shalt  }
0x5a: {  	_ =	shalt  }
0x5b: {  	_ =	shalt  }
0x5c: {  	_ =	shalt  }
0x5d: {  	_ =	shalt  }
0x5e: {  	_ =	shalt  }
0x5f: {  	_ =	shalt  }
0x60: {  	_ =	shalt  }
0x61: {  	_ =	shalt  }
0x62: {  	_ =	shalt  }
0x63: {  	_ =	shalt  }
0x64: {  	_ =	shalt  }
0x65: {  	_ =	shalt  }
0x66: {  	_ =	shalt  }
0x67: {  	_ =	shalt  }
0x68: {  	_ =	shalt  }
0x69: {  	_ =	shalt  }
0x6a: {  	_ =	shalt  }
0x6b: {  	_ =	shalt  }
0x6c: {  	_ =	shalt  }
0x6d: {  	_ =	shalt  }
0x6e: {  	_ =	shalt  }
0x6f: {  	_ =	shalt  }
0x70: {  	_ =	shalt  }
0x71: {  	_ =	shalt  }
0x72: {  	_ =	shalt  }
0x73: {  	_ =	shalt  }
0x74: {  	_ =	shalt  }
0x75: {  	_ =	shalt  }
0x76: {  	_ =	shalt  }
0x77: {  	_ =	shalt  }
0x78: {  	_ =	shalt  }
0x79: {  	_ =	shalt  }
0x7a: {  	_ =	shalt  }
0x7b: {  	_ =	shalt  }
0x7c: {  	_ =	shalt  }
0x7d: {  	_ =	shalt  }
0x7e: {  	_ =	shalt  }
0x7f: {  	_ =	shalt  }
0x80: {  	_ =	shalt  }
0x81: {  	_ =	shalt  }
0x82: {  	_ =	shalt  }
0x83: {  	_ =	shalt  }
0x84: {  	_ =	shalt  }
0x85: {  	_ =	shalt  }
0x86: {  	_ =	shalt  }
0x87: {  	_ =	shalt  }
.Lfunc_end0:
.L_simem_size_0:
called_computation_lowered:
.L_overlay_start_0:
0x88: {  	s2 =	sld [smem:$0x3FD9]  }
0x89: {  	s3 =	sld [smem:$0x3FFE];
	_ =	sdelay $0x1  }
0x8a: {  	s1 =	srdreg.scid  }
0x8b: {  	s0 =	sand.u32 $0x1, s1  }
0x8c: {  	s16 =	sshll.u32 s0, $0xA;
	s2 =	sadd.s32 s3, s2  }
0x8d: {  	s2 =	sadd.s32 s2, s16  }
0x8e: {  	[smem:$0x3FBD] =	sst s2  }
0x8f: {  	_ = 	snop  }
0x90: {  	(tm) =	ssettm $0x1  }
0x91: {  	s17 =	sld [smem:$0x3FFB];
	_ =	sdelay $0x3  }
0x92: {  	_ =	strace s17  }
0x93: {  	s2 =	sld [smem:$0x3FFC];
	_ =	sdelay $0x3  }
0x94: {  	_ =	strace s2  }
0x95: {  	s2 =	sld [smem:$0x3FFD];
	_ =	sdelay $0x3  }
0x96: {  	_ =	strace s2  }
0x97: {  	_ =	strace $0x8FFFFFFF  }
0x98: {  	s18 =	sld [smem:$0x3FDB];
	_ =	sdelay $0x1  }
0x99: {  	s19 =	simm.s32 $_scs_section_size  }
0x9a: {  	s4 =	simm.s32 $_size__tile_overlayer_lowered;
	s5 =	simm.s32 $_tile_overlayer_lowered  }
0x9b: {  	s22 =	simm.s32 $0x1BFF;
	s21 =	sshll.u32 s5, $0x1;
	s2 =	sadd.s32 s19, s18  }
0x9c: {  	s6 =	simm.s32 $0x0;
	s20 =	sshll.u32 s4, $0x1;
	s4 =	sadd.s32 s21, s2  }
0x9d: {  	[timem:s6], [sflag:s22] =	dma.local [hbm:s4], s20  }
0x9e: {  	_ =	swait.ge [sflag:s22], s20  }
0x9f: {  	s3 =	ssub.s32 $0x0, s20;
	[sflag:s22] =	ssyncset.done $0x0  }
0xa0: {  	[sflag:s22] =	ssyncadd.s32 s3;
	_ =	sdelay $0x1  }
0xa1: {  	s23 =	simm.s32 $0x1B8B  }
0xa2: {  	_ =	swait.ge [sflag:s23], $0x1  }
0xa3: {  	[sflag:s23] =	ssyncset.done $0x0  }
0xa4: {  	s25 =	simm.s32 $0x1B8E;
	s24 =	sld [smem:$0x3FFE];
	[sflag:s23] =	ssyncadd.s32 $0xFFFFFFFF  }
0xa5: {  	s26 =	simm.s32 $execute0_lowered;
	[smem:$0x3FD2] =	sst s25  }
0xa6: {  	s4 =	sshll.u32 s26, $0x1;
	_ =	strace $0x80000046;
	[dreg:$0x1] =	wrdreg $0xFFFFFFFF  }
0xa7: {  	s28 =	simm.s32 $_size_execute0_lowered;
	s2 =	sadd.s32 s2, s4;
	[dreg:$0x0] =	wrdreg $0x0  }
0xa8: {  	s4 =	sshll.u32 s28, $0x1;
	[dreg:$0x2] =	wrdreg s2  }
0xa9: {  	[dreg:$0x3] =	wrdreg s4  }
0xaa: {  	[dreg:$0x4] =	wrdreg $0xC0  }
0xab: {  	_ =	task [dreg:s6], $0x5FFFF  }
0xac: {  	[dreg:$0x1] =	wrdreg $0xFFFFFFFF  }
0xad: {  	[dreg:$0x0] =	wrdreg $0x60  }
0xae: {  	[dreg:$0x2] =	wrdreg s24  }
0xaf: {  	[dreg:$0x3] =	wrdreg $0x9  }
0xb0: {  	_ =	task.clear_ibuf [dreg:s6], $0x4FFFF;
	_ =	strace $0x90000046  }
0xb1: {  	s29 =	simm.s32 $0x9;
	_ =	strace $0x80000048  }
0xb2: {  	_ =	swait.ge [sflag:s29], $0x1  }
0xb3: {  	[sflag:s29] =	ssyncadd.s32 $0xFFFFFFFF  }
0xb4: {  	_ =	strace $0x90000048  }
0xb5: {  	_ =	sfence  }
0xb6: {  	s30 =	sld [smem:$0x0];
	_ =	sdelay $0x2  }
0xb7: {  	s31 =	sshll.u32 s1, $0xD;
	s1 =	sshrl.u32 s1, $0x2  }
0xb8: {  	s3 =	sand.u32 $0x4000, s31;
	s1 =	sadd.s32 s1, s30  }
0xb9: {  	s0 =	sor.u32 s3, s0;
	s1 =	sshll.u32 s1, $0x11  }
0xba: {  	s0 =	sor.u32 s1, s0  }
0xbb: {  	s0 =	sadd.s32 $0x8F2B, s0  }
0xbc: {  	[sflag:s0] =	ssyncadd.remote.s32 $0x1  }
0xbd: {  	_ =	sfence.sel $0xFFFF  }
0xbe: {  	[dreg:$0x0] =	wrdreg $0xFFFFFFFF;
	(pc) =	sbr.abs _section_cstart, $3  }
0xbf: {  	[dreg:$0x1] =	wrdreg $0xFFFFFFFF  }
0xc0: {  	_ =	task.clear_ibuf [dreg:s6], $0x2FFFF;
	_ =	strace $0x9FFFFFFF  }
0xc1: {  	(tm) =	ssettm $0x7FFFFFFF  }
tec
execute0_lowered:
.L_overlay_start_1:
0x0: {  	(tag) =	ssettag $0x1  }
0x1: {  	s0 =	srdreg.scid;
	s4 =	rddreg [dreg:$0x0]  }
0x2: {  	s1 =	stileid.u32;
	s2 =	simm.s32 $0x0;
	s3 =	sand.u32 $0x1, s0  }
0x3: {  	s8 =	simm.s32 $0x0;
	s0 =	rddreg [dreg:$0x1];
	s5 =	sshll.u32 s3, $0x4  }
0x4: {  	[smem:$0x7FF] =	sst s2;
	s3 =	ssub.s32 $0x2, s3;
	s5 =	sor.u32 s1, s5  }
0x5: {  	s7 =	sshrl.u32 s3, $0x1;
	s6 =	smul.u32 $0x500, s5;
	s5 =	sshll.u32 s5, $0xB  }
0x6: {  	_ =	strace $0x80000047;
	s31 =	ssub.s32 s3, s7;
	s5 =	sadd.s32 s5, s4  }
0x7: {  	s7 =	simm.s32 $0x4000;
	s4 =	sadd.s32 s6, s4;
	s3 =	sadd.s32 $0x2E00, s5  }
0x8: {  	v0 =	vimm.f32 $0.0e+00;
	v1 =	vimm.f32 $1.000000000e+00;
	s5 =	smax.u32 s31, $0x1;
	s6 =	simm.s32 $0x1;
	s4 =	sadd.s32 $0x12E00, s4  }
.LBB2_1:
0x9: {  	[tilespmem:s2], [sflag:$0x1] =	stream.linear.gather [hbm4b:s3+s2], $0x3E80, $0x38;
	[tilespmem:$0x6800] =	vst v63  }
0xa: {  	_ =	swait.ge [sflag:s6], $0x3E80  }
0xb: {  	[sflag:s6] =	ssyncset.done $0x0  }
0xc: {  	s9 =	simm.s32 $0x0;
	[sflag:s6] =	ssyncadd.s32 $0xFFFFC180  }
.LBB2_2:
0xd: {  	p0 =	sne.s32 s9, $0x9FC0  }
.Ltmp0:
0xe: {  	_ = 	snop;
	(pc) =	sbr.rel @p0 .LBB2_2-.Ltmp0, $3  }
0xf: {  	_ =	sdelay $0x1  }
0x10: {  	s10 =	sshra.s32 s9, $0x2  }
0x11: {  	s9 =	sadd.s32 $0x40, s9;
	[tilespmem:s10+$0x4000] =	vst v0  }
0x12: {  	s9 =	simm.s32 $0x0  }
.LBB2_4:
0x13: {  	s10 =	sshra.s32 s9, $0x2  }
0x14: {  	v2 =	vld [tilespmem:s10+$0x0];
	_ =	sdelay $0x7  }
0x15: {  	[tilespmem:v2+s7+$0x0] =	vst.idx.add.f32.msk $0xffff, v1  }
0x16: {  	v2 =	vld [tilespmem:s10+$0x10];
	_ =	sdelay $0x7  }
0x17: {  	[tilespmem:v2+s7+$0x0] =	vst.idx.add.f32.msk $0xffff, v1  }
0x18: {  	v2 =	vld [tilespmem:s10+$0x20];
	_ =	sdelay $0x7  }
0x19: {  	[tilespmem:v2+s7+$0x0] =	vst.idx.add.f32.msk $0xffff, v1  }
0x1a: {  	v2 =	vld [tilespmem:s10+$0x30];
	_ =	sdelay $0x7  }
0x1b: {  	[tilespmem:v2+s7+$0x0] =	vst.idx.add.f32.msk $0xffff, v1  }
0x1c: {  	v2 =	vld [tilespmem:s10+$0x40];
	_ =	sdelay $0x2  }
0x1d: {  	p0 =	sne.s32 s9, $0xF800  }
.Ltmp1:
0x1e: {  	_ = 	snop;
	(pc) =	sbr.rel @p0 .LBB2_4-.Ltmp1, $2  }
0x1f: {  	_ =	sdelay $0x2  }
0x20: {  	s9 =	sadd.s32 $0x200, s9;
	[tilespmem:v2+s7+$0x0] =	vst.idx.add.f32.msk $0xffff, v1  }
0x21: {  	s8 =	sadd.s32 $0x1, s8  }
0x22: {  	p0 =	sne.s32 s8, s5  }
.Ltmp2:
0x23: {  	_ = 	snop;
	(pc) =	sbr.rel @p0 .LBB2_1-.Ltmp2, $4  }
0x24: {  	[hbm4b:s4+s2] =	stream.linear.scatter [tilespmem:s7], [sflag:$0x1], $0x2800, $0x38;
	[tilespmem:$0x6800] =	vst v63  }
0x25: {  	_ =	swait.ge [sflag:s6], $0x2800  }
0x26: {  	[sflag:s6] =	ssyncset.done $0x0  }
0x27: {  	[sflag:s6] =	ssyncadd.s32 $0xFFFFD800  }
0x28: {  	_ =	sfence.sel $0x180000  }
0x29: {  	[bflag:$0x0] =	sbarrier.arrive $0xFFFF  }
0x2a: {  	p0 =	sne.s32 s1, $0x0;
	_ =	strace $0x90000047  }
0x2b: {  	s0 =	sadd.s32 @!p0 $0x100000, s0;
	[bflag:$0x2] =	sbarrier.arrive $0xFFFF  }
0x2c: {  	[sflag:s0] =	ssyncadd.tile.s32 @!p0 $0x1;
	_ =	shalt  }
.Lfunc_end2:
_tile_overlayer_lowered:
.L_overlay_start_2:
0x2d: {  	(tag) =	ssettag $0x2  }
0x2e: {  	s0 =	rddreg [dreg:$0x0];
	s2 =	stileid.u32  }
0x2f: {  	s1 =	rddreg [dreg:$0x1];
	p0 =	sne.s32 s2, $0x0  }
0x30: {  	s3 =	rddreg [dreg:$0x2];
	[bflag:$0x3] =	sbarrier.arrive $0xFFFF;
	s2 =	simm.s32 @!p0 $0x1C01  }
0x31: {  	[timem:s3], [sflag:s2] =	dma.local @!p0 [hbm:s0], s1  }
0x32: {  	s0 =	simm.s32 @!p0 $0x1  }
0x33: {  	_ =	swait.ge @!p0 [sflag:s0], s1  }
0x34: {  	s1 =	ssub.s32 @!p0 $0x0, s1;
	[sflag:s0] =	ssyncset.done @!p0 $0x0  }
0x35: {  	[sflag:s0] =	ssyncadd.s32 @!p0 s1  }
0x36: {  	[bflag:$0x3] =	sbarrier.arrive $0xFFFF  }
0x37: {  	_ =	shalt  }

</sc_bundles>
